<compile_context>
chip_gen: v7x
topology: tpu7x:2x2x1
jax: 0.10.2.dev20260603
libtpu: 0.0.44.dev20260713+nightly
codegen_flags: <defaults>
</compile_context>

<pallas_src>
import functools
import numpy as np
import jax
import jax.numpy as jnp
from jax import lax
from jax.experimental import pallas as pl
from jax.experimental.pallas import tpu as pltpu
from jax.experimental.pallas import tpu_sc as plsc

N = 10000
E = 160000
D = 128
NB = 10
MAX_RADIUS = 5.0
INV = 0.25

_STEP = MAX_RADIUS / (NB + 1)
_SQNB = float(np.sqrt(NB))
_C0 = np.float32(0.99999994 * _SQNB)
_C1 = np.float32(-1.2336982 * _SQNB)
_C2 = np.float32(0.25365078 * _SQNB)
_C3 = np.float32(-0.020810675 * _SQNB)
_C4 = np.float32(0.00085821631 * _SQNB)

NC, NS = 2, 16
NW = NC * NS
EPW = E // NW
GC = 200
NPAD = 10240
RPT = NPAD // NS

MSGW = 128
WSW = 128

_f32 = jnp.float32
_i32 = jnp.int32


def _gather_x_body(x_hbm, src_hbm, xs_out, sidx, xbuf, sem0):
    wid = lax.axis_index("s") * NC + lax.axis_index("c")
    base = wid * EPW

    def step_fn(j, carry):
        off = base + j * GC
        pltpu.sync_copy(src_hbm.at[pl.ds(off, GC)], sidx)
        pltpu.async_copy(x_hbm.at[sidx], xbuf, sem0).wait()
        pltpu.sync_copy(xbuf, xs_out.at[pl.ds(off, GC)])
        return carry

    lax.fori_loop(0, EPW // GC, step_fn, 0)


def _gather_pos_body(p_hbm, src_hbm, dst_hbm, ps_out, pd_out,
                     sidx, didx, psbuf, pdbuf, sem1, sem2):
    wid = lax.axis_index("s") * NC + lax.axis_index("c")
    base = wid * EPW

    def step_fn(j, carry):
        off = base + j * GC
        pltpu.sync_copy(src_hbm.at[pl.ds(off, GC)], sidx)
        pltpu.sync_copy(dst_hbm.at[pl.ds(off, GC)], didx)
        c1 = pltpu.async_copy(p_hbm.at[sidx], psbuf, sem1)
        c2 = pltpu.async_copy(p_hbm.at[didx], pdbuf, sem2)
        c1.wait()
        c2.wait()
        pltpu.sync_copy(psbuf, ps_out.at[pl.ds(off, GC)])
        pltpu.sync_copy(pdbuf, pd_out.at[pl.ds(off, GC)])
        return carry

    lax.fori_loop(0, EPW // GC, step_fn, 0)


@functools.cache
def _make_gather_x():
    mesh = plsc.VectorSubcoreMesh(
        core_axis_name="c", subcore_axis_name="s",
        num_cores=NC, num_subcores=NS)
    return pl.kernel(
        _gather_x_body,
        out_type=jax.ShapeDtypeStruct((E, 128), _f32),
        mesh=mesh,
        scratch_types=[
            pltpu.VMEM((GC,), _i32),
            pltpu.VMEM((GC, 128), _f32),
            pltpu.SemaphoreType.DMA,
        ],
    )


@functools.cache
def _make_gather_pos():
    mesh = plsc.VectorSubcoreMesh(
        core_axis_name="c", subcore_axis_name="s",
        num_cores=NC, num_subcores=NS)
    return pl.kernel(
        _gather_pos_body,
        out_type=(
            jax.ShapeDtypeStruct((E, 16), _f32),
            jax.ShapeDtypeStruct((E, 16), _f32),
        ),
        mesh=mesh,
        compiler_params=pltpu.CompilerParams(use_tc_tiling_on_sc=False),
        scratch_types=[
            pltpu.VMEM((GC,), _i32),
            pltpu.VMEM((GC,), _i32),
            pltpu.VMEM((GC, 16), _f32),
            pltpu.VMEM((GC, 16), _f32),
            pltpu.SemaphoreType.DMA,
            pltpu.SemaphoreType.DMA,
        ],
    )


def _scatter_body(val_hbm, idx_hbm, z_hbm, acc_out, acc, vbuf, ibuf):
    cid = lax.axis_index("c")
    sid = lax.axis_index("s")
    r0 = sid * RPT
    pltpu.sync_copy(z_hbm, acc.at[pl.ds(r0, RPT)])
    plsc.subcore_barrier()

    wid = sid * NC + cid
    base = wid * EPW

    def step_fn(j, carry):
        off = base + j * GC
        pltpu.sync_copy(val_hbm.at[pl.ds(off, GC)], vbuf)
        pltpu.sync_copy(idx_hbm.at[pl.ds(off, GC)], ibuf)
        pltpu.sync_copy(vbuf, acc.at[ibuf], add=True)
        return carry

    lax.fori_loop(0, EPW // GC, step_fn, 0)
    plsc.subcore_barrier()
    pltpu.sync_copy(acc.at[pl.ds(r0, RPT)], acc_out.at[cid].at[pl.ds(r0, RPT)])


@functools.cache
def _make_scatter(width):
    mesh = plsc.VectorSubcoreMesh(
        core_axis_name="c", subcore_axis_name="s",
        num_cores=NC, num_subcores=NS)
    return pl.kernel(
        _scatter_body,
        out_type=jax.ShapeDtypeStruct((NC, NPAD, width), _f32),
        mesh=mesh,
        compiler_params=pltpu.CompilerParams(use_tc_tiling_on_sc=False),
        scratch_types=[
            pltpu.VMEM_SHARED((NPAD, width), _f32),
            pltpu.VMEM((GC, width), _f32),
            pltpu.VMEM((GC,), _i32),
        ],
    )


EB = 2000


def _edge_body(xs_ref, ps_ref, pd_ref, cw1_ref, fc1w2_ref, fc2w2_ref,
               lin1s_ref, lin1v_ref, msg_ref, wsh_ref):
    xs = xs_ref[...]
    ev = pd_ref[:, 0:3] - ps_ref[:, 0:3]
    r = jnp.sqrt(jnp.sum(ev * ev, axis=1, keepdims=True))
    unit = ev / jnp.maximum(r, 1e-9)
    sh3 = np.float32(np.sqrt(3.0)) * unit
    centers = ((lax.broadcasted_iota(_i32, (1, NB), 1) + 1).astype(_f32)
               * np.float32(_STEP))
    diff = (r - centers) * np.float32(1.0 / _STEP)
    u = diff * diff
    window = (u < 1.0).astype(_f32)
    us = jnp.minimum(u, 1.0)
    poly = (((_C4 * us + _C3) * us + _C2) * us + _C1) * us + _C0
    emb = poly * window
    h = jax.nn.silu(jnp.dot(emb, cw1_ref[...], preferred_element_type=_f32))
    w1 = jnp.dot(h[:, :100], fc1w2_ref[...], preferred_element_type=_f32)
    w2 = jnp.dot(h[:, 100:], fc2w2_ref[...], preferred_element_type=_f32)
    ys = jnp.dot(xs * w1[:, :D], lin1s_ref[...], preferred_element_type=_f32)
    tv = jnp.dot(xs * w1[:, D:], lin1v_ref[...], preferred_element_type=_f32)
    shx, shy, shz = sh3[:, 0:1], sh3[:, 1:2], sh3[:, 2:3]
    msg_ref[...] = jnp.concatenate(
        [ys, tv * shx, tv * shy, tv * shz, jnp.zeros((EB, MSGW - 100), _f32)],
        axis=1)
    w2v = w2[:, 20:]
    wsh_ref[...] = jnp.concatenate(
        [w2[:, :20], w2v * shx, w2v * shy, w2v * shz,
         jnp.zeros((EB, WSW - 80), _f32)], axis=1)


_edge = pl.pallas_call(
    _edge_body,
    grid=(E // EB,),
    in_specs=[
        pl.BlockSpec((EB, 128), lambda i: (i, 0)),
        pl.BlockSpec((EB, 16), lambda i: (i, 0)),
        pl.BlockSpec((EB, 16), lambda i: (i, 0)),
        pl.BlockSpec((NB, 200), lambda i: (0, 0)),
        pl.BlockSpec((100, 256), lambda i: (0, 0)),
        pl.BlockSpec((100, 40), lambda i: (0, 0)),
        pl.BlockSpec((128, 40), lambda i: (0, 0)),
        pl.BlockSpec((128, 20), lambda i: (0, 0)),
    ],
    out_specs=[
        pl.BlockSpec((EB, MSGW), lambda i: (i, 0)),
        pl.BlockSpec((EB, WSW), lambda i: (i, 0)),
    ],
    out_shape=[
        jax.ShapeDtypeStruct((E, MSGW), _f32),
        jax.ShapeDtypeStruct((E, WSW), _f32),
    ],
)


NBK = 1000


def _node_body(accd_ref, accs_ref, x_ref, sc1_ref, lin2_ref, sc2_ref,
               out_ref, t40_ref, hsum_ref):
    i = pl.program_id(0)
    nacc = accd_ref[0] + accd_ref[1]
    nas = accs_ref[0] + accs_ref[1]
    s = INV * nacc[:, :40] + jnp.dot(x_ref[...], sc1_ref[...],
                                     preferred_element_type=_f32)
    hs = jax.nn.silu(s[:, :20])
    g = jax.nn.sigmoid(s[:, 20:40])
    hv = jnp.concatenate([g, g, g], axis=1) * (INV * nacc[:, 40:100])
    prod = jnp.concatenate([hs, hv], axis=1) * nas[:, :80]
    t40 = jnp.concatenate([
        jnp.sum(prod[:, :20], axis=0, keepdims=True),
        jnp.sum(prod[:, 20:40] + prod[:, 40:60] + prod[:, 60:80],
                axis=0, keepdims=True)], axis=1)
    hsum = jnp.sum(hs, axis=0, keepdims=True)

    @pl.when(i == 0)
    def _():
        t40_ref[...] = t40
        hsum_ref[...] = hsum

    @pl.when(i > 0)
    def _():
        t40_ref[...] += t40
        hsum_ref[...] += hsum

    @pl.when(i == pl.num_programs(0) - 1)
    def _():
        out_ref[...] = (INV * jnp.dot(t40_ref[...], lin2_ref[...],
                                      preferred_element_type=_f32)
                        + jnp.dot(hsum_ref[...], sc2_ref[...],
                                  preferred_element_type=_f32))


_node = pl.pallas_call(
    _node_body,
    grid=(N // NBK,),
    in_specs=[
        pl.BlockSpec((NC, NBK, MSGW), lambda i: (0, i, 0)),
        pl.BlockSpec((NC, NBK, WSW), lambda i: (0, i, 0)),
        pl.BlockSpec((NBK, 128), lambda i: (i, 0)),
        pl.BlockSpec((128, 40), lambda i: (0, 0)),
        pl.BlockSpec((40, 4), lambda i: (0, 0)),
        pl.BlockSpec((20, 4), lambda i: (0, 0)),
    ],
    out_specs=pl.BlockSpec((1, 4), lambda i: (0, 0)),
    out_shape=jax.ShapeDtypeStruct((1, 4), _f32),
    scratch_shapes=[
        pltpu.VMEM((1, 40), _f32),
        pltpu.VMEM((1, 20), _f32),
    ],
)


def kernel(pos, x, edge_index, batch, edge_shift, lattice, fc1_w1, fc1_w2,
           lin1_s, lin1_v, sc1, fc2_w1, fc2_w2, lin2, sc2):
    src = edge_index[0]
    dst = edge_index[1]
    p_pad = jnp.concatenate([pos, jnp.zeros((N, 13), _f32)], axis=1)
    cw1 = jnp.concatenate([fc1_w1, fc2_w1], axis=1)
    zd = jnp.zeros((RPT, MSGW), _f32)
    zs = jnp.zeros((RPT, WSW), _f32)

    ps, pd = _make_gather_pos()(p_pad, src, dst)
    xs = _make_gather_x()(x, src)
    msg, wsh = _edge(xs, ps, pd, cw1, fc1_w2, fc2_w2, lin1_s, lin1_v)
    accd = _make_scatter(MSGW)(msg, dst, zd)
    accs = _make_scatter(WSW)(wsh, src, zs)
    return _node(accd, accs, x, sc1, lin2, sc2)

# --- scband reference (transcript-rebuilt; emitter-appended) ---
"""Pipeline reference for scband-sabia-network-89867895701753 (READ-ONLY COPY).

The authoritative reference and input builder live on the scoring server;
editing this copy changes nothing except your own understanding.
"""

import jax, jax.numpy as jnp
import numpy as np

N = 10000
E = 160000
D = 128
NB = 10
MAX_RADIUS = 5.0
NUM_NEIGHBORS = 16.0


def setup_inputs(seed: int = 0) -> dict:
    key = jax.random.key(seed)
    ks = [jax.random.fold_in(key, i) for i in range(16)]
    def init(k, shape):
        return jax.random.normal(k, shape, dtype=jnp.float32) / np.sqrt(shape[0])
    pos = jax.random.normal(ks[0], (N, 3), dtype=jnp.float32) * 3.0
    x = jax.random.normal(ks[1], (N, D), dtype=jnp.float32)
    edge_index = jax.random.randint(ks[2], (2, E), 0, N, dtype=jnp.int32)
    batch = jnp.zeros((N,), dtype=jnp.int32)
    edge_shift = jnp.zeros((E, 3), dtype=jnp.float32)
    lattice = jax.random.normal(ks[3], (1, 3, 3), dtype=jnp.float32)
    return dict(
        pos=pos, x=x, edge_index=edge_index, batch=batch,
        edge_shift=edge_shift, lattice=lattice,
        fc1_w1=init(ks[4], (NB, 100)), fc1_w2=init(ks[5], (100, 2 * D)),
        lin1_s=init(ks[6], (D, 40)), lin1_v=init(ks[7], (D, 20)),
        sc1=init(ks[8], (D, 40)),
        fc2_w1=init(ks[9], (NB, 100)), fc2_w2=init(ks[10], (100, 40)),
        lin2=init(ks[11], (40, 4)), sc2=init(ks[12], (20, 4)),
    )


def _forward(pos, x, edge_shift, lattice, fc1_w1, fc1_w2, lin1_s, lin1_v, sc1,
             fc2_w1, fc2_w2, lin2, sc2, edge_index, batch):
    src = edge_index[0]
    dst = edge_index[1]
    # preprocess: edge vectors with periodic shift
    edge_vec = pos[dst] - pos[src] + jnp.einsum('ni,nij->nj', edge_shift, lattice[batch[src]])
    r = jnp.linalg.norm(edge_vec, axis=1)
    unit = edge_vec / jnp.maximum(r, 1e-9)[:, None]
    # spherical harmonics lmax=1, component normalization: [1, sqrt(3)*unit]
    sh = jnp.concatenate([jnp.ones((edge_vec.shape[0], 1), dtype=pos.dtype), jnp.sqrt(3.0) * unit], axis=1)
    # soft_one_hot_linspace, basis='cosine', cutoff=True, scaled by sqrt(NB)
    vals = jnp.linspace(0.0, MAX_RADIUS, NB + 2)
    step = vals[1] - vals[0]
    centers = vals[1:-1]
    diff = (r[:, None] - centers) / step
    emb = jnp.cos(jnp.pi / 2.0 * diff) * (diff < 1.0) * (diff > -1.0) * (NB ** 0.5)
    inv = 1.0 / jnp.sqrt(NUM_NEIGHBORS)
    # ---- conv layer 1: 128x0e -> hidden (20 scalars + 20 gates, 20 vectors), uvu TP with fc-generated weights
    w1 = jax.nn.silu(emb @ fc1_w1) @ fc1_w2  # [E, 2D]
    xs = x[src]
    ms = xs * w1[:, :D] * sh[:, :1]                          # 0e x 0e -> 0e
    mv = (xs * w1[:, D:])[:, :, None] * sh[:, None, 1:4]     # 0e x 1o -> 1o
    agg_s = jax.ops.segment_sum(ms, dst, num_segments=N) * inv
    agg_v = jax.ops.segment_sum(mv.reshape(mv.shape[0], -1), dst, num_segments=N).reshape(N, D, 3) * inv
    s = agg_s @ lin1_s + x @ sc1           # linear + self-connection (node_attr = ones)
    v = jnp.einsum('nci,co->noi', agg_v, lin1_v)
    h_s = jax.nn.silu(s[:, :20])
    gates = jax.nn.sigmoid(s[:, 20:])      # gate nonlinearity for l=1 features
    h_v = gates[:, :, None] * v
    # ---- conv layer 2: hidden -> 4x0e
    w2 = jax.nn.silu(emb @ fc2_w1) @ fc2_w2  # [E, 40]
    m2s = h_s[src] * w2[:, :20] * sh[:, :1]                       # 0e x 0e -> 0e
    m2v = jnp.einsum('eci,ei->ec', h_v[src], sh[:, 1:4]) * w2[:, 20:]  # 1o x 1o -> 0e
    agg2 = jax.ops.segment_sum(jnp.concatenate([m2s, m2v], axis=1), dst, num_segments=N) * inv
    out_nodes = agg2 @ lin2 + h_s @ sc2
    # pool_nodes=True: scatter over batch, div sqrt(num_nodes=1)
    pooled = jax.ops.segment_sum(out_nodes, batch, num_segments=1) / jnp.sqrt(1.0)
    return pooled


def reference(pos, x, edge_index, batch, edge_shift, lattice, fc1_w1, fc1_w2,
              lin1_s, lin1_v, sc1, fc2_w1, fc2_w2, lin2, sc2):
    return _forward(pos, x, edge_shift, lattice, fc1_w1, fc1_w2, lin1_s, lin1_v,
                    sc1, fc2_w1, fc2_w2, lin2, sc2, edge_index, batch)

if __name__ == "__main__":
    import jax
    _d = setup_inputs()
    print(jax.jit(kernel)(*tuple(_d.values())))

</pallas_src>

<mosaic_0001>
#map = affine_map<(d0, d1) -> (0, 0)>
#map1 = affine_map<(d0, d1) -> (0)>
module attributes {stable_mosaic.version = 14 : i64} {
  func.func @_gather_pos_body(%arg0: i32, %arg1: i32, %arg2: memref<10000x16xf32, #tpu.memory_space<hbm>>, %arg3: memref<160000xi32, #tpu.memory_space<hbm>>, %arg4: memref<160000xi32, #tpu.memory_space<hbm>>, %arg5: memref<160000x16xf32, #tpu.memory_space<hbm>>, %arg6: memref<160000x16xf32, #tpu.memory_space<hbm>>, %arg7: memref<200xi32, #tpu.memory_space<vmem>>, %arg8: memref<200xi32, #tpu.memory_space<vmem>>, %arg9: memref<200x16xf32, #tpu.memory_space<vmem>>, %arg10: memref<200x16xf32, #tpu.memory_space<vmem>>, %arg11: memref<!tpu.dma_semaphore, #tpu.memory_space<semaphore_mem>>, %arg12: memref<!tpu.dma_semaphore, #tpu.memory_space<semaphore_mem>>) attributes {dimension_semantics = [#tpu.dimension_semantics<core_parallel>, #tpu.dimension_semantics<subcore_parallel>], iteration_bounds = array<i64: 2, 16>, scalar_prefetch = 0 : i64, scratch_operands = 6 : i64, tpu.core_type = #tpu.core_type<sc_vector_subcore>, window_params = [{transform_indices = #map}, {transform_indices = #map1}, {transform_indices = #map1}, {transform_indices = #map}, {transform_indices = #map}]} {
    %mul3A = arith.constant 2 : i32
    %mul3A_0 = arith.muli %arg1, %mul3A : i32
    %add3A = arith.addi %mul3A_0, %arg0 : i32
    %mul3A_1 = arith.constant 5000 : i32
    %mul3A_2 = arith.muli %add3A, %mul3A_1 : i32
    %scan3A = arith.constant 0 : i32
    %scan3A_3 = arith.constant 0 : i32
    %scan3A_4 = arith.constant 25 : i32
    %scan3A_5 = arith.addi %scan3A_3, %scan3A_4 : i32
    %scan3A_6 = arith.constant 1 : i32
    scf.for %scan3A_8 = %scan3A_3 to %scan3A_5 step %scan3A_6  : i32 {
      %mul3A_9 = arith.constant 200 : i32
      %mul3A_10 = arith.muli %scan3A_8, %mul3A_9 : i32
      %add3A_11 = arith.addi %mul3A_2, %mul3A_10 : i32
      "tpu.region"() ({
        %run_scoped3A = tpu.sem_alloc : memref<!tpu.dma_semaphore, #tpu.memory_space<semaphore_mem>>
        %dma_start3A_22 = tpu.memref_slice %arg3[%add3A_11] : memref<160000xi32, #tpu.memory_space<hbm>> -> memref<200xi32, #tpu.memory_space<hbm>>
        %dma_start3A_23 = tpu.memref_slice %arg3[%add3A_11] : memref<160000xi32, #tpu.memory_space<hbm>> -> memref<200xi32, #tpu.memory_space<hbm>>
        tpu.enqueue_dma source(%dma_start3A_23 : memref<200xi32, #tpu.memory_space<hbm>>) target(%arg7 : memref<200xi32, #tpu.memory_space<vmem>>) target_semaphore(%run_scoped3A : memref<!tpu.dma_semaphore, #tpu.memory_space<semaphore_mem>>)
        %dma_wait3A_24 = tpu.memref_slice %arg3[%add3A_11] : memref<160000xi32, #tpu.memory_space<hbm>> -> memref<200xi32, #tpu.memory_space<hbm>>
        %dma_wait3A_25 = tpu.memref_slice %arg3[%add3A_11] : memref<160000xi32, #tpu.memory_space<hbm>> -> memref<200xi32, #tpu.memory_space<hbm>>
        tpu.wait_dma2 semaphore(%run_scoped3A : memref<!tpu.dma_semaphore, #tpu.memory_space<semaphore_mem>>) src(%dma_wait3A_25 : memref<200xi32, #tpu.memory_space<hbm>>) dst(%arg7 : memref<200xi32, #tpu.memory_space<vmem>>)
        tpu.yield
      }) : () -> ()
      "tpu.region"() ({
        %run_scoped3A = tpu.sem_alloc : memref<!tpu.dma_semaphore, #tpu.memory_space<semaphore_mem>>
        %dma_start3A_22 = tpu.memref_slice %arg4[%add3A_11] : memref<160000xi32, #tpu.memory_space<hbm>> -> memref<200xi32, #tpu.memory_space<hbm>>
        %dma_start3A_23 = tpu.memref_slice %arg4[%add3A_11] : memref<160000xi32, #tpu.memory_space<hbm>> -> memref<200xi32, #tpu.memory_space<hbm>>
        tpu.enqueue_dma source(%dma_start3A_23 : memref<200xi32, #tpu.memory_space<hbm>>) target(%arg8 : memref<200xi32, #tpu.memory_space<vmem>>) target_semaphore(%run_scoped3A : memref<!tpu.dma_semaphore, #tpu.memory_space<semaphore_mem>>)
        %dma_wait3A_24 = tpu.memref_slice %arg4[%add3A_11] : memref<160000xi32, #tpu.memory_space<hbm>> -> memref<200xi32, #tpu.memory_space<hbm>>
        %dma_wait3A_25 = tpu.memref_slice %arg4[%add3A_11] : memref<160000xi32, #tpu.memory_space<hbm>> -> memref<200xi32, #tpu.memory_space<hbm>>
        tpu.wait_dma2 semaphore(%run_scoped3A : memref<!tpu.dma_semaphore, #tpu.memory_space<semaphore_mem>>) src(%dma_wait3A_25 : memref<200xi32, #tpu.memory_space<hbm>>) dst(%arg8 : memref<200xi32, #tpu.memory_space<vmem>>)
        tpu.yield
      }) : () -> ()
      %dma_start3A = arith.constant 0 : i32
      %dma_start3A_12 = arith.constant 0 : i32
      %dma_start3A_13 = tpu.memref_slice %arg2[%dma_start3A, %dma_start3A_12] : memref<10000x16xf32, #tpu.memory_space<hbm>> -> memref<10000x16xf32, #tpu.memory_space<hbm>>
      tpu.enqueue_indirect_dma source(%dma_start3A_13 : memref<10000x16xf32, #tpu.memory_space<hbm>>) target(%arg9 : memref<200x16xf32, #tpu.memory_space<vmem>>) offsets(%arg7 : memref<200xi32, #tpu.memory_space<vmem>>) semaphore(%arg11 : memref<!tpu.dma_semaphore, #tpu.memory_space<semaphore_mem>>)
      %dma_start3A_14 = arith.constant 0 : i32
      %dma_start3A_15 = arith.constant 0 : i32
      %dma_start3A_16 = tpu.memref_slice %arg2[%dma_start3A_14, %dma_start3A_15] : memref<10000x16xf32, #tpu.memory_space<hbm>> -> memref<10000x16xf32, #tpu.memory_space<hbm>>
      tpu.enqueue_indirect_dma source(%dma_start3A_16 : memref<10000x16xf32, #tpu.memory_space<hbm>>) target(%arg10 : memref<200x16xf32, #tpu.memory_space<vmem>>) offsets(%arg8 : memref<200xi32, #tpu.memory_space<vmem>>) semaphore(%arg12 : memref<!tpu.dma_semaphore, #tpu.memory_space<semaphore_mem>>)
      %dma_wait3A = arith.constant 0 : i32
      %dma_wait3A_17 = arith.constant 0 : i32
      %dma_wait3A_18 = tpu.memref_slice %arg2[%dma_wait3A, %dma_wait3A_17] : memref<10000x16xf32, #tpu.memory_space<hbm>> -> memref<10000x16xf32, #tpu.memory_space<hbm>>
      tpu.wait_indirect_dma semaphore(%arg11 : memref<!tpu.dma_semaphore, #tpu.memory_space<semaphore_mem>>) src(%dma_wait3A_18 : memref<10000x16xf32, #tpu.memory_space<hbm>>) dst(%arg9 : memref<200x16xf32, #tpu.memory_space<vmem>>)
      %dma_wait3A_19 = arith.constant 0 : i32
      %dma_wait3A_20 = arith.constant 0 : i32
      %dma_wait3A_21 = tpu.memref_slice %arg2[%dma_wait3A_19, %dma_wait3A_20] : memref<10000x16xf32, #tpu.memory_space<hbm>> -> memref<10000x16xf32, #tpu.memory_space<hbm>>
      tpu.wait_indirect_dma semaphore(%arg12 : memref<!tpu.dma_semaphore, #tpu.memory_space<semaphore_mem>>) src(%dma_wait3A_21 : memref<10000x16xf32, #tpu.memory_space<hbm>>) dst(%arg10 : memref<200x16xf32, #tpu.memory_space<vmem>>)
      "tpu.region"() ({
        %run_scoped3A = tpu.sem_alloc : memref<!tpu.dma_semaphore, #tpu.memory_space<semaphore_mem>>
        %dma_start3A_22 = arith.constant 0 : i32
        %dma_start3A_23 = tpu.memref_slice %arg5[%add3A_11, %dma_start3A_22] : memref<160000x16xf32, #tpu.memory_space<hbm>> -> memref<200x16xf32, #tpu.memory_space<hbm>>
        %dma_start3A_24 = arith.constant 0 : i32
        %dma_start3A_25 = tpu.memref_slice %arg5[%add3A_11, %dma_start3A_24] : memref<160000x16xf32, #tpu.memory_space<hbm>> -> memref<200x16xf32, #tpu.memory_space<hbm>>
        tpu.enqueue_dma source(%arg9 : memref<200x16xf32, #tpu.memory_space<vmem>>) target(%dma_start3A_25 : memref<200x16xf32, #tpu.memory_space<hbm>>) target_semaphore(%run_scoped3A : memref<!tpu.dma_semaphore, #tpu.memory_space<semaphore_mem>>)
        %dma_wait3A_26 = arith.constant 0 : i32
        %dma_wait3A_27 = tpu.memref_slice %arg5[%add3A_11, %dma_wait3A_26] : memref<160000x16xf32, #tpu.memory_space<hbm>> -> memref<200x16xf32, #tpu.memory_space<hbm>>
        %dma_wait3A_28 = arith.constant 0 : i32
        %dma_wait3A_29 = tpu.memref_slice %arg5[%add3A_11, %dma_wait3A_28] : memref<160000x16xf32, #tpu.memory_space<hbm>> -> memref<200x16xf32, #tpu.memory_space<hbm>>
        tpu.wait_dma2 semaphore(%run_scoped3A : memref<!tpu.dma_semaphore, #tpu.memory_space<semaphore_mem>>) src(%arg9 : memref<200x16xf32, #tpu.memory_space<vmem>>) dst(%dma_wait3A_29 : memref<200x16xf32, #tpu.memory_space<hbm>>)
        tpu.yield
      }) : () -> ()
      "tpu.region"() ({
        %run_scoped3A = tpu.sem_alloc : memref<!tpu.dma_semaphore, #tpu.memory_space<semaphore_mem>>
        %dma_start3A_22 = arith.constant 0 : i32
        %dma_start3A_23 = tpu.memref_slice %arg6[%add3A_11, %dma_start3A_22] : memref<160000x16xf32, #tpu.memory_space<hbm>> -> memref<200x16xf32, #tpu.memory_space<hbm>>
        %dma_start3A_24 = arith.constant 0 : i32
        %dma_start3A_25 = tpu.memref_slice %arg6[%add3A_11, %dma_start3A_24] : memref<160000x16xf32, #tpu.memory_space<hbm>> -> memref<200x16xf32, #tpu.memory_space<hbm>>
        tpu.enqueue_dma source(%arg10 : memref<200x16xf32, #tpu.memory_space<vmem>>) target(%dma_start3A_25 : memref<200x16xf32, #tpu.memory_space<hbm>>) target_semaphore(%run_scoped3A : memref<!tpu.dma_semaphore, #tpu.memory_space<semaphore_mem>>)
        %dma_wait3A_26 = arith.constant 0 : i32
        %dma_wait3A_27 = tpu.memref_slice %arg6[%add3A_11, %dma_wait3A_26] : memref<160000x16xf32, #tpu.memory_space<hbm>> -> memref<200x16xf32, #tpu.memory_space<hbm>>
        %dma_wait3A_28 = arith.constant 0 : i32
        %dma_wait3A_29 = tpu.memref_slice %arg6[%add3A_11, %dma_wait3A_28] : memref<160000x16xf32, #tpu.memory_space<hbm>> -> memref<200x16xf32, #tpu.memory_space<hbm>>
        tpu.wait_dma2 semaphore(%run_scoped3A : memref<!tpu.dma_semaphore, #tpu.memory_space<semaphore_mem>>) src(%arg10 : memref<200x16xf32, #tpu.memory_space<vmem>>) dst(%dma_wait3A_29 : memref<200x16xf32, #tpu.memory_space<hbm>>)
        tpu.yield
      }) : () -> ()
    }
    %scan3A_7 = arith.constant 25 : i32
    return
  }
}

#map = affine_map<(d0, d1) -> (0, 0)>
#map1 = affine_map<(d0, d1) -> (0)>
#map2 = affine_map<(d0, d1) -> (0, 0, 0)>
module attributes {stable_mosaic.version = 14 : i64} {
  func.func @_scatter_body(%arg0: i32, %arg1: i32, %arg2: memref<160000x128xf32, #tpu.memory_space<hbm>>, %arg3: memref<160000xi32, #tpu.memory_space<hbm>>, %arg4: memref<640x128xf32, #tpu.memory_space<hbm>>, %arg5: memref<2x10240x128xf32, #tpu.memory_space<hbm>>, %arg6: memref<10240x128xf32, #tpu.memory_space<vmem_shared>>, %arg7: memref<200x128xf32, #tpu.memory_space<vmem>>, %arg8: memref<200xi32, #tpu.memory_space<vmem>>) attributes {dimension_semantics = [#tpu.dimension_semantics<core_parallel>, #tpu.dimension_semantics<subcore_parallel>], iteration_bounds = array<i64: 2, 16>, scalar_prefetch = 0 : i64, scratch_operands = 3 : i64, tpu.core_type = #tpu.core_type<sc_vector_subcore>, window_params = [{transform_indices = #map}, {transform_indices = #map1}, {transform_indices = #map}, {transform_indices = #map2}]} {
    %mul3A = arith.constant 640 : i32
    %mul3A_0 = arith.muli %arg1, %mul3A : i32
    "tpu.region"() ({
      %run_scoped3A = tpu.sem_alloc : memref<!tpu.dma_semaphore, #tpu.memory_space<semaphore_mem>>
      %dma_start3A = arith.constant 0 : i32
      %dma_start3A_11 = tpu.memref_slice %arg6[%mul3A_0, %dma_start3A] : memref<10240x128xf32, #tpu.memory_space<vmem_shared>> -> memref<640x128xf32, #tpu.memory_space<vmem_shared>>
      tpu.enqueue_dma source(%arg4 : memref<640x128xf32, #tpu.memory_space<hbm>>) target(%dma_start3A_11 : memref<640x128xf32, #tpu.memory_space<vmem_shared>>) target_semaphore(%run_scoped3A : memref<!tpu.dma_semaphore, #tpu.memory_space<semaphore_mem>>)
      %dma_wait3A = arith.constant 0 : i32
      %dma_wait3A_12 = tpu.memref_slice %arg6[%mul3A_0, %dma_wait3A] : memref<10240x128xf32, #tpu.memory_space<vmem_shared>> -> memref<640x128xf32, #tpu.memory_space<vmem_shared>>
      tpu.wait_dma2 semaphore(%run_scoped3A : memref<!tpu.dma_semaphore, #tpu.memory_space<semaphore_mem>>) src(%arg4 : memref<640x128xf32, #tpu.memory_space<hbm>>) dst(%dma_wait3A_12 : memref<640x128xf32, #tpu.memory_space<vmem_shared>>)
      tpu.yield
    }) : () -> ()
    %barrier3A = arith.constant 0 : index
    tpu.barrier barrier_id(%barrier3A)
    %mul3A_1 = arith.constant 2 : i32
    %mul3A_2 = arith.muli %arg1, %mul3A_1 : i32
    %add3A = arith.addi %mul3A_2, %arg0 : i32
    %mul3A_3 = arith.constant 5000 : i32
    %mul3A_4 = arith.muli %add3A, %mul3A_3 : i32
    %scan3A = arith.constant 0 : i32
    %scan3A_5 = arith.constant 0 : i32
    %scan3A_6 = arith.constant 25 : i32
    %scan3A_7 = arith.addi %scan3A_5, %scan3A_6 : i32
    %scan3A_8 = arith.constant 1 : i32
    scf.for %scan3A_11 = %scan3A_5 to %scan3A_7 step %scan3A_8  : i32 {
      %mul3A_12 = arith.constant 200 : i32
      %mul3A_13 = arith.muli %scan3A_11, %mul3A_12 : i32
      %add3A_14 = arith.addi %mul3A_4, %mul3A_13 : i32
      "tpu.region"() ({
        %run_scoped3A = tpu.sem_alloc : memref<!tpu.dma_semaphore, #tpu.memory_space<semaphore_mem>>
        %dma_start3A = arith.constant 0 : i32
        %dma_start3A_15 = tpu.memref_slice %arg2[%add3A_14, %dma_start3A] : memref<160000x128xf32, #tpu.memory_space<hbm>> -> memref<200x128xf32, #tpu.memory_space<hbm>>
        %dma_start3A_16 = arith.constant 0 : i32
        %dma_start3A_17 = tpu.memref_slice %arg2[%add3A_14, %dma_start3A_16] : memref<160000x128xf32, #tpu.memory_space<hbm>> -> memref<200x128xf32, #tpu.memory_space<hbm>>
        tpu.enqueue_dma source(%dma_start3A_17 : memref<200x128xf32, #tpu.memory_space<hbm>>) target(%arg7 : memref<200x128xf32, #tpu.memory_space<vmem>>) target_semaphore(%run_scoped3A : memref<!tpu.dma_semaphore, #tpu.memory_space<semaphore_mem>>)
        %dma_wait3A = arith.constant 0 : i32
        %dma_wait3A_18 = tpu.memref_slice %arg2[%add3A_14, %dma_wait3A] : memref<160000x128xf32, #tpu.memory_space<hbm>> -> memref<200x128xf32, #tpu.memory_space<hbm>>
        %dma_wait3A_19 = arith.constant 0 : i32
        %dma_wait3A_20 = tpu.memref_slice %arg2[%add3A_14, %dma_wait3A_19] : memref<160000x128xf32, #tpu.memory_space<hbm>> -> memref<200x128xf32, #tpu.memory_space<hbm>>
        tpu.wait_dma2 semaphore(%run_scoped3A : memref<!tpu.dma_semaphore, #tpu.memory_space<semaphore_mem>>) src(%dma_wait3A_20 : memref<200x128xf32, #tpu.memory_space<hbm>>) dst(%arg7 : memref<200x128xf32, #tpu.memory_space<vmem>>)
        tpu.yield
      }) : () -> ()
      "tpu.region"() ({
        %run_scoped3A = tpu.sem_alloc : memref<!tpu.dma_semaphore, #tpu.memory_space<semaphore_mem>>
        %dma_start3A = tpu.memref_slice %arg3[%add3A_14] : memref<160000xi32, #tpu.memory_space<hbm>> -> memref<200xi32, #tpu.memory_space<hbm>>
        %dma_start3A_15 = tpu.memref_slice %arg3[%add3A_14] : memref<160000xi32, #tpu.memory_space<hbm>> -> memref<200xi32, #tpu.memory_space<hbm>>
        tpu.enqueue_dma source(%dma_start3A_15 : memref<200xi32, #tpu.memory_space<hbm>>) target(%arg8 : memref<200xi32, #tpu.memory_space<vmem>>) target_semaphore(%run_scoped3A : memref<!tpu.dma_semaphore, #tpu.memory_space<semaphore_mem>>)
        %dma_wait3A = tpu.memref_slice %arg3[%add3A_14] : memref<160000xi32, #tpu.memory_space<hbm>> -> memref<200xi32, #tpu.memory_space<hbm>>
        %dma_wait3A_16 = tpu.memref_slice %arg3[%add3A_14] : memref<160000xi32, #tpu.memory_space<hbm>> -> memref<200xi32, #tpu.memory_space<hbm>>
        tpu.wait_dma2 semaphore(%run_scoped3A : memref<!tpu.dma_semaphore, #tpu.memory_space<semaphore_mem>>) src(%dma_wait3A_16 : memref<200xi32, #tpu.memory_space<hbm>>) dst(%arg8 : memref<200xi32, #tpu.memory_space<vmem>>)
        tpu.yield
      }) : () -> ()
      "tpu.region"() ({
        %run_scoped3A = tpu.sem_alloc : memref<!tpu.dma_semaphore, #tpu.memory_space<semaphore_mem>>
        %dma_start3A = arith.constant 0 : i32
        %dma_start3A_15 = arith.constant 0 : i32
        %dma_start3A_16 = tpu.memref_slice %arg6[%dma_start3A, %dma_start3A_15] : memref<10240x128xf32, #tpu.memory_space<vmem_shared>> -> memref<10240x128xf32, #tpu.memory_space<vmem_shared>>
        tpu.enqueue_indirect_dma source(%arg7 : memref<200x128xf32, #tpu.memory_space<vmem>>) target(%dma_start3A_16 : memref<10240x128xf32, #tpu.memory_space<vmem_shared>>) offsets(%arg8 : memref<200xi32, #tpu.memory_space<vmem>>) semaphore(%run_scoped3A : memref<!tpu.dma_semaphore, #tpu.memory_space<semaphore_mem>>) {add = true}
        %dma_wait3A = arith.constant 0 : i32
        %dma_wait3A_17 = arith.constant 0 : i32
        %dma_wait3A_18 = tpu.memref_slice %arg6[%dma_wait3A, %dma_wait3A_17] : memref<10240x128xf32, #tpu.memory_space<vmem_shared>> -> memref<10240x128xf32, #tpu.memory_space<vmem_shared>>
        tpu.wait_indirect_dma semaphore(%run_scoped3A : memref<!tpu.dma_semaphore, #tpu.memory_space<semaphore_mem>>) src(%arg7 : memref<200x128xf32, #tpu.memory_space<vmem>>) dst(%dma_wait3A_18 : memref<10240x128xf32, #tpu.memory_space<vmem_shared>>)
        tpu.yield
      }) : () -> ()
    }
    %scan3A_9 = arith.constant 25 : i32
    %barrier3A_10 = arith.constant 0 : index
    tpu.barrier barrier_id(%barrier3A_10)
    "tpu.region"() ({
      %run_scoped3A = tpu.sem_alloc : memref<!tpu.dma_semaphore, #tpu.memory_space<semaphore_mem>>
      %dma_start3A = arith.constant 0 : i32
      %dma_start3A_11 = arith.constant 0 : i32
      %dma_start3A_12 = tpu.memref_slice %arg5[%arg0, %dma_start3A, %dma_start3A_11] : memref<2x10240x128xf32, #tpu.memory_space<hbm>> -> memref<1x10240x128xf32, #tpu.memory_space<hbm>>
      %dma_start3A_13 = tpu.memref_squeeze %dma_start3A_12 : memref<1x10240x128xf32, #tpu.memory_space<hbm>> -> memref<10240x128xf32, #tpu.memory_space<hbm>>
      %dma_start3A_14 = arith.constant 0 : i32
      %dma_start3A_15 = tpu.memref_slice %dma_start3A_13[%mul3A_0, %dma_start3A_14] : memref<10240x128xf32, #tpu.memory_space<hbm>> -> memref<640x128xf32, #tpu.memory_space<hbm>>
      %dma_start3A_16 = arith.constant 0 : i32
      %dma_start3A_17 = tpu.memref_slice %arg6[%mul3A_0, %dma_start3A_16] : memref<10240x128xf32, #tpu.memory_space<vmem_shared>> -> memref<640x128xf32, #tpu.memory_space<vmem_shared>>
      tpu.enqueue_dma source(%dma_start3A_17 : memref<640x128xf32, #tpu.memory_space<vmem_shared>>) target(%dma_start3A_15 : memref<640x128xf32, #tpu.memory_space<hbm>>) target_semaphore(%run_scoped3A : memref<!tpu.dma_semaphore, #tpu.memory_space<semaphore_mem>>)
      %dma_wait3A = arith.constant 0 : i32
      %dma_wait3A_18 = arith.constant 0 : i32
      %dma_wait3A_19 = tpu.memref_slice %arg5[%arg0, %dma_wait3A, %dma_wait3A_18] : memref<2x10240x128xf32, #tpu.memory_space<hbm>> -> memref<1x10240x128xf32, #tpu.memory_space<hbm>>
      %dma_wait3A_20 = tpu.memref_squeeze %dma_wait3A_19 : memref<1x10240x128xf32, #tpu.memory_space<hbm>> -> memref<10240x128xf32, #tpu.memory_space<hbm>>
      %dma_wait3A_21 = arith.constant 0 : i32
      %dma_wait3A_22 = tpu.memref_slice %dma_wait3A_20[%mul3A_0, %dma_wait3A_21] : memref<10240x128xf32, #tpu.memory_space<hbm>> -> memref<640x128xf32, #tpu.memory_space<hbm>>
      %dma_wait3A_23 = arith.constant 0 : i32
      %dma_wait3A_24 = tpu.memref_slice %arg6[%mul3A_0, %dma_wait3A_23] : memref<10240x128xf32, #tpu.memory_space<vmem_shared>> -> memref<640x128xf32, #tpu.memory_space<vmem_shared>>
      tpu.wait_dma2 semaphore(%run_scoped3A : memref<!tpu.dma_semaphore, #tpu.memory_space<semaphore_mem>>) src(%dma_wait3A_24 : memref<640x128xf32, #tpu.memory_space<vmem_shared>>) dst(%dma_wait3A_22 : memref<640x128xf32, #tpu.memory_space<hbm>>)
      tpu.yield
    }) : () -> ()
    return
  }
}

#map = affine_map<(d0, d1) -> (0, 0)>
#map1 = affine_map<(d0, d1) -> (0)>
module attributes {stable_mosaic.version = 14 : i64} {
  func.func @_gather_x_body(%arg0: i32, %arg1: i32, %arg2: memref<10000x128xf32, #tpu.memory_space<hbm>>, %arg3: memref<160000xi32, #tpu.memory_space<hbm>>, %arg4: memref<160000x128xf32, #tpu.memory_space<hbm>>, %arg5: memref<200xi32, #tpu.memory_space<vmem>>, %arg6: memref<200x128xf32, #tpu.memory_space<vmem>>, %arg7: memref<!tpu.dma_semaphore, #tpu.memory_space<semaphore_mem>>) attributes {dimension_semantics = [#tpu.dimension_semantics<core_parallel>, #tpu.dimension_semantics<subcore_parallel>], iteration_bounds = array<i64: 2, 16>, scalar_prefetch = 0 : i64, scratch_operands = 3 : i64, tpu.core_type = #tpu.core_type<sc_vector_subcore>, window_params = [{transform_indices = #map}, {transform_indices = #map1}, {transform_indices = #map}]} {
    %mul3A = arith.constant 2 : i32
    %mul3A_0 = arith.muli %arg1, %mul3A : i32
    %add3A = arith.addi %mul3A_0, %arg0 : i32
    %mul3A_1 = arith.constant 5000 : i32
    %mul3A_2 = arith.muli %add3A, %mul3A_1 : i32
    %scan3A = arith.constant 0 : i32
    %scan3A_3 = arith.constant 0 : i32
    %scan3A_4 = arith.constant 25 : i32
    %scan3A_5 = arith.addi %scan3A_3, %scan3A_4 : i32
    %scan3A_6 = arith.constant 1 : i32
    scf.for %scan3A_8 = %scan3A_3 to %scan3A_5 step %scan3A_6  : i32 {
      %mul3A_9 = arith.constant 200 : i32
      %mul3A_10 = arith.muli %scan3A_8, %mul3A_9 : i32
      %add3A_11 = arith.addi %mul3A_2, %mul3A_10 : i32
      "tpu.region"() ({
        %run_scoped3A = tpu.sem_alloc : memref<!tpu.dma_semaphore, #tpu.memory_space<semaphore_mem>>
        %dma_start3A_16 = tpu.memref_slice %arg3[%add3A_11] : memref<160000xi32, #tpu.memory_space<hbm>> -> memref<200xi32, #tpu.memory_space<hbm>>
        %dma_start3A_17 = tpu.memref_slice %arg3[%add3A_11] : memref<160000xi32, #tpu.memory_space<hbm>> -> memref<200xi32, #tpu.memory_space<hbm>>
        tpu.enqueue_dma source(%dma_start3A_17 : memref<200xi32, #tpu.memory_space<hbm>>) target(%arg5 : memref<200xi32, #tpu.memory_space<vmem>>) target_semaphore(%run_scoped3A : memref<!tpu.dma_semaphore, #tpu.memory_space<semaphore_mem>>)
        %dma_wait3A_18 = tpu.memref_slice %arg3[%add3A_11] : memref<160000xi32, #tpu.memory_space<hbm>> -> memref<200xi32, #tpu.memory_space<hbm>>
        %dma_wait3A_19 = tpu.memref_slice %arg3[%add3A_11] : memref<160000xi32, #tpu.memory_space<hbm>> -> memref<200xi32, #tpu.memory_space<hbm>>
        tpu.wait_dma2 semaphore(%run_scoped3A : memref<!tpu.dma_semaphore, #tpu.memory_space<semaphore_mem>>) src(%dma_wait3A_19 : memref<200xi32, #tpu.memory_space<hbm>>) dst(%arg5 : memref<200xi32, #tpu.memory_space<vmem>>)
        tpu.yield
      }) : () -> ()
      %dma_start3A = arith.constant 0 : i32
      %dma_start3A_12 = arith.constant 0 : i32
      %dma_start3A_13 = tpu.memref_slice %arg2[%dma_start3A, %dma_start3A_12] : memref<10000x128xf32, #tpu.memory_space<hbm>> -> memref<10000x128xf32, #tpu.memory_space<hbm>>
      tpu.enqueue_indirect_dma source(%dma_start3A_13 : memref<10000x128xf32, #tpu.memory_space<hbm>>) target(%arg6 : memref<200x128xf32, #tpu.memory_space<vmem>>) offsets(%arg5 : memref<200xi32, #tpu.memory_space<vmem>>) semaphore(%arg7 : memref<!tpu.dma_semaphore, #tpu.memory_space<semaphore_mem>>)
      %dma_wait3A = arith.constant 0 : i32
      %dma_wait3A_14 = arith.constant 0 : i32
      %dma_wait3A_15 = tpu.memref_slice %arg2[%dma_wait3A, %dma_wait3A_14] : memref<10000x128xf32, #tpu.memory_space<hbm>> -> memref<10000x128xf32, #tpu.memory_space<hbm>>
      tpu.wait_indirect_dma semaphore(%arg7 : memref<!tpu.dma_semaphore, #tpu.memory_space<semaphore_mem>>) src(%dma_wait3A_15 : memref<10000x128xf32, #tpu.memory_space<hbm>>) dst(%arg6 : memref<200x128xf32, #tpu.memory_space<vmem>>)
      "tpu.region"() ({
        %run_scoped3A = tpu.sem_alloc : memref<!tpu.dma_semaphore, #tpu.memory_space<semaphore_mem>>
        %dma_start3A_16 = arith.constant 0 : i32
        %dma_start3A_17 = tpu.memref_slice %arg4[%add3A_11, %dma_start3A_16] : memref<160000x128xf32, #tpu.memory_space<hbm>> -> memref<200x128xf32, #tpu.memory_space<hbm>>
        %dma_start3A_18 = arith.constant 0 : i32
        %dma_start3A_19 = tpu.memref_slice %arg4[%add3A_11, %dma_start3A_18] : memref<160000x128xf32, #tpu.memory_space<hbm>> -> memref<200x128xf32, #tpu.memory_space<hbm>>
        tpu.enqueue_dma source(%arg6 : memref<200x128xf32, #tpu.memory_space<vmem>>) target(%dma_start3A_19 : memref<200x128xf32, #tpu.memory_space<hbm>>) target_semaphore(%run_scoped3A : memref<!tpu.dma_semaphore, #tpu.memory_space<semaphore_mem>>)
        %dma_wait3A_20 = arith.constant 0 : i32
        %dma_wait3A_21 = tpu.memref_slice %arg4[%add3A_11, %dma_wait3A_20] : memref<160000x128xf32, #tpu.memory_space<hbm>> -> memref<200x128xf32, #tpu.memory_space<hbm>>
        %dma_wait3A_22 = arith.constant 0 : i32
        %dma_wait3A_23 = tpu.memref_slice %arg4[%add3A_11, %dma_wait3A_22] : memref<160000x128xf32, #tpu.memory_space<hbm>> -> memref<200x128xf32, #tpu.memory_space<hbm>>
        tpu.wait_dma2 semaphore(%run_scoped3A : memref<!tpu.dma_semaphore, #tpu.memory_space<semaphore_mem>>) src(%arg6 : memref<200x128xf32, #tpu.memory_space<vmem>>) dst(%dma_wait3A_23 : memref<200x128xf32, #tpu.memory_space<hbm>>)
        tpu.yield
      }) : () -> ()
    }
    %scan3A_7 = arith.constant 25 : i32
    return
  }
}

#map = affine_map<(d0, d1) -> (0, 0)>
#map1 = affine_map<(d0, d1) -> (0)>
#map2 = affine_map<(d0, d1) -> (0, 0, 0)>
module attributes {stable_mosaic.version = 14 : i64} {
  func.func @_scatter_body(%arg0: i32, %arg1: i32, %arg2: memref<160000x128xf32, #tpu.memory_space<hbm>>, %arg3: memref<160000xi32, #tpu.memory_space<hbm>>, %arg4: memref<640x128xf32, #tpu.memory_space<hbm>>, %arg5: memref<2x10240x128xf32, #tpu.memory_space<hbm>>, %arg6: memref<10240x128xf32, #tpu.memory_space<vmem_shared>>, %arg7: memref<200x128xf32, #tpu.memory_space<vmem>>, %arg8: memref<200xi32, #tpu.memory_space<vmem>>) attributes {dimension_semantics = [#tpu.dimension_semantics<core_parallel>, #tpu.dimension_semantics<subcore_parallel>], iteration_bounds = array<i64: 2, 16>, scalar_prefetch = 0 : i64, scratch_operands = 3 : i64, tpu.core_type = #tpu.core_type<sc_vector_subcore>, window_params = [{transform_indices = #map}, {transform_indices = #map1}, {transform_indices = #map}, {transform_indices = #map2}]} {
    %mul3A = arith.constant 640 : i32
    %mul3A_0 = arith.muli %arg1, %mul3A : i32
    "tpu.region"() ({
      %run_scoped3A = tpu.sem_alloc : memref<!tpu.dma_semaphore, #tpu.memory_space<semaphore_mem>>
      %dma_start3A = arith.constant 0 : i32
      %dma_start3A_11 = tpu.memref_slice %arg6[%mul3A_0, %dma_start3A] : memref<10240x128xf32, #tpu.memory_space<vmem_shared>> -> memref<640x128xf32, #tpu.memory_space<vmem_shared>>
      tpu.enqueue_dma source(%arg4 : memref<640x128xf32, #tpu.memory_space<hbm>>) target(%dma_start3A_11 : memref<640x128xf32, #tpu.memory_space<vmem_shared>>) target_semaphore(%run_scoped3A : memref<!tpu.dma_semaphore, #tpu.memory_space<semaphore_mem>>)
      %dma_wait3A = arith.constant 0 : i32
      %dma_wait3A_12 = tpu.memref_slice %arg6[%mul3A_0, %dma_wait3A] : memref<10240x128xf32, #tpu.memory_space<vmem_shared>> -> memref<640x128xf32, #tpu.memory_space<vmem_shared>>
      tpu.wait_dma2 semaphore(%run_scoped3A : memref<!tpu.dma_semaphore, #tpu.memory_space<semaphore_mem>>) src(%arg4 : memref<640x128xf32, #tpu.memory_space<hbm>>) dst(%dma_wait3A_12 : memref<640x128xf32, #tpu.memory_space<vmem_shared>>)
      tpu.yield
    }) : () -> ()
    %barrier3A = arith.constant 0 : index
    tpu.barrier barrier_id(%barrier3A)
    %mul3A_1 = arith.constant 2 : i32
    %mul3A_2 = arith.muli %arg1, %mul3A_1 : i32
    %add3A = arith.addi %mul3A_2, %arg0 : i32
    %mul3A_3 = arith.constant 5000 : i32
    %mul3A_4 = arith.muli %add3A, %mul3A_3 : i32
    %scan3A = arith.constant 0 : i32
    %scan3A_5 = arith.constant 0 : i32
    %scan3A_6 = arith.constant 25 : i32
    %scan3A_7 = arith.addi %scan3A_5, %scan3A_6 : i32
    %scan3A_8 = arith.constant 1 : i32
    scf.for %scan3A_11 = %scan3A_5 to %scan3A_7 step %scan3A_8  : i32 {
      %mul3A_12 = arith.constant 200 : i32
      %mul3A_13 = arith.muli %scan3A_11, %mul3A_12 : i32
      %add3A_14 = arith.addi %mul3A_4, %mul3A_13 : i32
      "tpu.region"() ({
        %run_scoped3A = tpu.sem_alloc : memref<!tpu.dma_semaphore, #tpu.memory_space<semaphore_mem>>
        %dma_start3A = arith.constant 0 : i32
        %dma_start3A_15 = tpu.memref_slice %arg2[%add3A_14, %dma_start3A] : memref<160000x128xf32, #tpu.memory_space<hbm>> -> memref<200x128xf32, #tpu.memory_space<hbm>>
        %dma_start3A_16 = arith.constant 0 : i32
        %dma_start3A_17 = tpu.memref_slice %arg2[%add3A_14, %dma_start3A_16] : memref<160000x128xf32, #tpu.memory_space<hbm>> -> memref<200x128xf32, #tpu.memory_space<hbm>>
        tpu.enqueue_dma source(%dma_start3A_17 : memref<200x128xf32, #tpu.memory_space<hbm>>) target(%arg7 : memref<200x128xf32, #tpu.memory_space<vmem>>) target_semaphore(%run_scoped3A : memref<!tpu.dma_semaphore, #tpu.memory_space<semaphore_mem>>)
        %dma_wait3A = arith.constant 0 : i32
        %dma_wait3A_18 = tpu.memref_slice %arg2[%add3A_14, %dma_wait3A] : memref<160000x128xf32, #tpu.memory_space<hbm>> -> memref<200x128xf32, #tpu.memory_space<hbm>>
        %dma_wait3A_19 = arith.constant 0 : i32
        %dma_wait3A_20 = tpu.memref_slice %arg2[%add3A_14, %dma_wait3A_19] : memref<160000x128xf32, #tpu.memory_space<hbm>> -> memref<200x128xf32, #tpu.memory_space<hbm>>
        tpu.wait_dma2 semaphore(%run_scoped3A : memref<!tpu.dma_semaphore, #tpu.memory_space<semaphore_mem>>) src(%dma_wait3A_20 : memref<200x128xf32, #tpu.memory_space<hbm>>) dst(%arg7 : memref<200x128xf32, #tpu.memory_space<vmem>>)
        tpu.yield
      }) : () -> ()
      "tpu.region"() ({
        %run_scoped3A = tpu.sem_alloc : memref<!tpu.dma_semaphore, #tpu.memory_space<semaphore_mem>>
        %dma_start3A = tpu.memref_slice %arg3[%add3A_14] : memref<160000xi32, #tpu.memory_space<hbm>> -> memref<200xi32, #tpu.memory_space<hbm>>
        %dma_start3A_15 = tpu.memref_slice %arg3[%add3A_14] : memref<160000xi32, #tpu.memory_space<hbm>> -> memref<200xi32, #tpu.memory_space<hbm>>
        tpu.enqueue_dma source(%dma_start3A_15 : memref<200xi32, #tpu.memory_space<hbm>>) target(%arg8 : memref<200xi32, #tpu.memory_space<vmem>>) target_semaphore(%run_scoped3A : memref<!tpu.dma_semaphore, #tpu.memory_space<semaphore_mem>>)
        %dma_wait3A = tpu.memref_slice %arg3[%add3A_14] : memref<160000xi32, #tpu.memory_space<hbm>> -> memref<200xi32, #tpu.memory_space<hbm>>
        %dma_wait3A_16 = tpu.memref_slice %arg3[%add3A_14] : memref<160000xi32, #tpu.memory_space<hbm>> -> memref<200xi32, #tpu.memory_space<hbm>>
        tpu.wait_dma2 semaphore(%run_scoped3A : memref<!tpu.dma_semaphore, #tpu.memory_space<semaphore_mem>>) src(%dma_wait3A_16 : memref<200xi32, #tpu.memory_space<hbm>>) dst(%arg8 : memref<200xi32, #tpu.memory_space<vmem>>)
        tpu.yield
      }) : () -> ()
      "tpu.region"() ({
        %run_scoped3A = tpu.sem_alloc : memref<!tpu.dma_semaphore, #tpu.memory_space<semaphore_mem>>
        %dma_start3A = arith.constant 0 : i32
        %dma_start3A_15 = arith.constant 0 : i32
        %dma_start3A_16 = tpu.memref_slice %arg6[%dma_start3A, %dma_start3A_15] : memref<10240x128xf32, #tpu.memory_space<vmem_shared>> -> memref<10240x128xf32, #tpu.memory_space<vmem_shared>>
        tpu.enqueue_indirect_dma source(%arg7 : memref<200x128xf32, #tpu.memory_space<vmem>>) target(%dma_start3A_16 : memref<10240x128xf32, #tpu.memory_space<vmem_shared>>) offsets(%arg8 : memref<200xi32, #tpu.memory_space<vmem>>) semaphore(%run_scoped3A : memref<!tpu.dma_semaphore, #tpu.memory_space<semaphore_mem>>) {add = true}
        %dma_wait3A = arith.constant 0 : i32
        %dma_wait3A_17 = arith.constant 0 : i32
        %dma_wait3A_18 = tpu.memref_slice %arg6[%dma_wait3A, %dma_wait3A_17] : memref<10240x128xf32, #tpu.memory_space<vmem_shared>> -> memref<10240x128xf32, #tpu.memory_space<vmem_shared>>
        tpu.wait_indirect_dma semaphore(%run_scoped3A : memref<!tpu.dma_semaphore, #tpu.memory_space<semaphore_mem>>) src(%arg7 : memref<200x128xf32, #tpu.memory_space<vmem>>) dst(%dma_wait3A_18 : memref<10240x128xf32, #tpu.memory_space<vmem_shared>>)
        tpu.yield
      }) : () -> ()
    }
    %scan3A_9 = arith.constant 25 : i32
    %barrier3A_10 = arith.constant 0 : index
    tpu.barrier barrier_id(%barrier3A_10)
    "tpu.region"() ({
      %run_scoped3A = tpu.sem_alloc : memref<!tpu.dma_semaphore, #tpu.memory_space<semaphore_mem>>
      %dma_start3A = arith.constant 0 : i32
      %dma_start3A_11 = arith.constant 0 : i32
      %dma_start3A_12 = tpu.memref_slice %arg5[%arg0, %dma_start3A, %dma_start3A_11] : memref<2x10240x128xf32, #tpu.memory_space<hbm>> -> memref<1x10240x128xf32, #tpu.memory_space<hbm>>
      %dma_start3A_13 = tpu.memref_squeeze %dma_start3A_12 : memref<1x10240x128xf32, #tpu.memory_space<hbm>> -> memref<10240x128xf32, #tpu.memory_space<hbm>>
      %dma_start3A_14 = arith.constant 0 : i32
      %dma_start3A_15 = tpu.memref_slice %dma_start3A_13[%mul3A_0, %dma_start3A_14] : memref<10240x128xf32, #tpu.memory_space<hbm>> -> memref<640x128xf32, #tpu.memory_space<hbm>>
      %dma_start3A_16 = arith.constant 0 : i32
      %dma_start3A_17 = tpu.memref_slice %arg6[%mul3A_0, %dma_start3A_16] : memref<10240x128xf32, #tpu.memory_space<vmem_shared>> -> memref<640x128xf32, #tpu.memory_space<vmem_shared>>
      tpu.enqueue_dma source(%dma_start3A_17 : memref<640x128xf32, #tpu.memory_space<vmem_shared>>) target(%dma_start3A_15 : memref<640x128xf32, #tpu.memory_space<hbm>>) target_semaphore(%run_scoped3A : memref<!tpu.dma_semaphore, #tpu.memory_space<semaphore_mem>>)
      %dma_wait3A = arith.constant 0 : i32
      %dma_wait3A_18 = arith.constant 0 : i32
      %dma_wait3A_19 = tpu.memref_slice %arg5[%arg0, %dma_wait3A, %dma_wait3A_18] : memref<2x10240x128xf32, #tpu.memory_space<hbm>> -> memref<1x10240x128xf32, #tpu.memory_space<hbm>>
      %dma_wait3A_20 = tpu.memref_squeeze %dma_wait3A_19 : memref<1x10240x128xf32, #tpu.memory_space<hbm>> -> memref<10240x128xf32, #tpu.memory_space<hbm>>
      %dma_wait3A_21 = arith.constant 0 : i32
      %dma_wait3A_22 = tpu.memref_slice %dma_wait3A_20[%mul3A_0, %dma_wait3A_21] : memref<10240x128xf32, #tpu.memory_space<hbm>> -> memref<640x128xf32, #tpu.memory_space<hbm>>
      %dma_wait3A_23 = arith.constant 0 : i32
      %dma_wait3A_24 = tpu.memref_slice %arg6[%mul3A_0, %dma_wait3A_23] : memref<10240x128xf32, #tpu.memory_space<vmem_shared>> -> memref<640x128xf32, #tpu.memory_space<vmem_shared>>
      tpu.wait_dma2 semaphore(%run_scoped3A : memref<!tpu.dma_semaphore, #tpu.memory_space<semaphore_mem>>) src(%dma_wait3A_24 : memref<640x128xf32, #tpu.memory_space<vmem_shared>>) dst(%dma_wait3A_22 : memref<640x128xf32, #tpu.memory_space<hbm>>)
      tpu.yield
    }) : () -> ()
    return
  }
}

module attributes {stable_mosaic.version = 14 : i64} {
  func.func @_edge_body(%arg0: i32, %arg1: memref<2000x128xf32, #tpu.memory_space<vmem>>, %arg2: memref<2000x16xf32, #tpu.memory_space<vmem>>, %arg3: memref<2000x16xf32, #tpu.memory_space<vmem>>, %arg4: memref<10x200xf32, #tpu.memory_space<vmem>>, %arg5: memref<100x256xf32, #tpu.memory_space<vmem>>, %arg6: memref<100x40xf32, #tpu.memory_space<vmem>>, %arg7: memref<128x40xf32, #tpu.memory_space<vmem>>, %arg8: memref<128x20xf32, #tpu.memory_space<vmem>>, %arg9: memref<2000x128xf32, #tpu.memory_space<vmem>>, %arg10: memref<2000x128xf32, #tpu.memory_space<vmem>>) attributes {dimension_semantics = [#tpu.dimension_semantics<arbitrary>], iteration_bounds = array<i64: 80>, scalar_prefetch = 0 : i64, scratch_operands = 0 : i64, tpu.core_type = #tpu.core_type<tc>, window_params = [{transform_indices = @transform_0, window_bounds = array<i64: 2000, 128>}, {transform_indices = @transform_1, window_bounds = array<i64: 2000, 16>}, {transform_indices = @transform_2, window_bounds = array<i64: 2000, 16>}, {pipeline_mode = #tpu.pipeline_mode<synchronous>, transform_indices = @transform_3, window_bounds = array<i64: 10, 200>}, {pipeline_mode = #tpu.pipeline_mode<synchronous>, transform_indices = @transform_4, window_bounds = array<i64: 100, 256>}, {pipeline_mode = #tpu.pipeline_mode<synchronous>, transform_indices = @transform_5, window_bounds = array<i64: 100, 40>}, {pipeline_mode = #tpu.pipeline_mode<synchronous>, transform_indices = @transform_6, window_bounds = array<i64: 128, 40>}, {pipeline_mode = #tpu.pipeline_mode<synchronous>, transform_indices = @transform_7, window_bounds = array<i64: 128, 20>}, {transform_indices = @transform_8, window_bounds = array<i64: 2000, 128>}, {transform_indices = @transform_9, window_bounds = array<i64: 2000, 128>}]} {
    %get3A = arith.constant 0 : index
    %get3A_0 = arith.constant 0 : index
    %get3A_1 = vector.load %arg1[%get3A, %get3A_0] : memref<2000x128xf32, #tpu.memory_space<vmem>>, vector<2000x128xf32>
    %get3A_2 = arith.constant 0 : index
    %get3A_3 = arith.constant 0 : index
    %get3A_4 = vector.load %arg3[%get3A_2, %get3A_3] : memref<2000x16xf32, #tpu.memory_space<vmem>>, vector<2000x3xf32>
    %get3A_5 = arith.constant 0 : index
    %get3A_6 = arith.constant 0 : index
    %get3A_7 = vector.load %arg2[%get3A_5, %get3A_6] : memref<2000x16xf32, #tpu.memory_space<vmem>>, vector<2000x3xf32>
    %sub3A = arith.subf %get3A_4, %get3A_7 : vector<2000x3xf32>
    %mul3A = arith.mulf %sub3A, %sub3A : vector<2000x3xf32>
    %reduce_sum3A = arith.constant dense<0.000000e+00> : vector<2000xf32>
    %reduce_sum3A_8 = vector.multi_reduction <add>, %mul3A, %reduce_sum3A [1] : vector<2000x3xf32> to vector<2000xf32>
    %broadcast_in_dim3A = vector.shape_cast %reduce_sum3A_8 : vector<2000xf32> to vector<2000x1xf32>
    %sqrt3A = math.sqrt %broadcast_in_dim3A : vector<2000x1xf32>
    %max3A = arith.constant 9.99999971E-10 : f32
    %max3A_9 = vector.broadcast %max3A : f32 to vector<2000x1xf32>
    %max3A_10 = arith.maximumf %sqrt3A, %max3A_9 : vector<2000x1xf32>
    %div3A = vector.broadcast %max3A_10 : vector<2000x1xf32> to vector<2000x3xf32>
    %div3A_11 = arith.divf %sub3A, %div3A : vector<2000x3xf32>
    %mul3A_12 = arith.constant 1.73205078 : f32
    %mul3A_13 = vector.broadcast %mul3A_12 : f32 to vector<2000x3xf32>
    %mul3A_14 = arith.mulf %mul3A_13, %div3A_11 : vector<2000x3xf32>
    %iota3A = tpu.iota {dimensions = array<i32: 1>} : vector<1x10xi32>
    %add3A = arith.constant 1 : i32
    %add3A_15 = vector.broadcast %add3A : i32 to vector<1x10xi32>
    %add3A_16 = arith.addi %iota3A, %add3A_15 : vector<1x10xi32>
    %convert_element_type3A = arith.sitofp %add3A_16 : vector<1x10xi32> to vector<1x10xf32>
    %mul3A_17 = arith.constant 0.454545468 : f32
    %mul3A_18 = vector.broadcast %mul3A_17 : f32 to vector<1x10xf32>
    %mul3A_19 = arith.mulf %convert_element_type3A, %mul3A_18 : vector<1x10xf32>
    %sub3A_20 = vector.broadcast %sqrt3A : vector<2000x1xf32> to vector<2000x10xf32>
    %sub3A_21 = vector.broadcast %mul3A_19 : vector<1x10xf32> to vector<2000x10xf32>
    %sub3A_22 = arith.subf %sub3A_20, %sub3A_21 : vector<2000x10xf32>
    %mul3A_23 = arith.constant 2.200000e+00 : f32
    %mul3A_24 = vector.broadcast %mul3A_23 : f32 to vector<2000x10xf32>
    %mul3A_25 = arith.mulf %sub3A_22, %mul3A_24 : vector<2000x10xf32>
    %mul3A_26 = arith.mulf %mul3A_25, %mul3A_25 : vector<2000x10xf32>
    %lt3A = arith.constant 1.000000e+00 : f32
    %lt3A_27 = vector.broadcast %lt3A : f32 to vector<2000x10xf32>
    %lt3A_28 = arith.cmpf olt, %mul3A_26, %lt3A_27 : vector<2000x10xf32>
    %convert_element_type3A_29 = arith.extui %lt3A_28 : vector<2000x10xi1> to vector<2000x10xi32>
    %convert_element_type3A_30 = arith.sitofp %convert_element_type3A_29 : vector<2000x10xi32> to vector<2000x10xf32>
    %min3A = arith.constant 1.000000e+00 : f32
    %min3A_31 = vector.broadcast %min3A : f32 to vector<2000x10xf32>
    %min3A_32 = arith.minimumf %mul3A_26, %min3A_31 : vector<2000x10xf32>
    %mul3A_33 = arith.constant 0.00271391822 : f32
    %mul3A_34 = vector.broadcast %mul3A_33 : f32 to vector<2000x10xf32>
    %mul3A_35 = arith.mulf %mul3A_34, %min3A_32 : vector<2000x10xf32>
    %add3A_36 = arith.constant -0.0658091307 : f32
    %add3A_37 = vector.broadcast %add3A_36 : f32 to vector<2000x10xf32>
    %add3A_38 = arith.addf %mul3A_35, %add3A_37 : vector<2000x10xf32>
    %mul3A_39 = arith.mulf %add3A_38, %min3A_32 : vector<2000x10xf32>
    %add3A_40 = arith.constant 0.802114188 : f32
    %add3A_41 = vector.broadcast %add3A_40 : f32 to vector<2000x10xf32>
    %add3A_42 = arith.addf %mul3A_39, %add3A_41 : vector<2000x10xf32>
    %mul3A_43 = arith.mulf %add3A_42, %min3A_32 : vector<2000x10xf32>
    %add3A_44 = arith.constant -3.90129614 : f32
    %add3A_45 = vector.broadcast %add3A_44 : f32 to vector<2000x10xf32>
    %add3A_46 = arith.addf %mul3A_43, %add3A_45 : vector<2000x10xf32>
    %mul3A_47 = arith.mulf %add3A_46, %min3A_32 : vector<2000x10xf32>
    %add3A_48 = arith.constant 3.16227746 : f32
    %add3A_49 = vector.broadcast %add3A_48 : f32 to vector<2000x10xf32>
    %add3A_50 = arith.addf %mul3A_47, %add3A_49 : vector<2000x10xf32>
    %mul3A_51 = arith.mulf %add3A_50, %convert_element_type3A_30 : vector<2000x10xf32>
    %get3A_52 = arith.constant 0 : index
    %get3A_53 = arith.constant 0 : index
    %get3A_54 = vector.load %arg4[%get3A_52, %get3A_53] : memref<10x200xf32, #tpu.memory_space<vmem>>, vector<10x200xf32>
    %dot_general3A = arith.constant dense<0.000000e+00> : vector<2000x200xf32>
    %dot_general3A_55 = tpu.matmul %mul3A_51, %get3A_54, %dot_general3A {dimension_numbers = #tpu.dot_dimension_numbers<[1], [0], [0], [1], [0, 0, 1, 1], [], []>, transpose_lhs_hint = false} : vector<2000x10xf32>, vector<10x200xf32>, vector<2000x200xf32> -> vector<2000x200xf32>
    %logistic3A = arith.negf %dot_general3A_55 : vector<2000x200xf32>
    %logistic3A_56 = math.exp %logistic3A : vector<2000x200xf32>
    %logistic3A_57 = arith.constant 1.000000e+00 : f32
    %logistic3A_58 = vector.broadcast %logistic3A_57 : f32 to vector<2000x200xf32>
    %logistic3A_59 = arith.addf %logistic3A_58, %logistic3A_56 : vector<2000x200xf32>
    %logistic3A_60 = arith.divf %logistic3A_58, %logistic3A_59 : vector<2000x200xf32>
    %mul3A_61 = arith.mulf %dot_general3A_55, %logistic3A_60 : vector<2000x200xf32>
    %slice3A = vector.extract_strided_slice %mul3A_61 {offsets = [0, 0], sizes = [2000, 100], strides = [1, 1]} : vector<2000x200xf32> to vector<2000x100xf32>
    %get3A_62 = arith.constant 0 : index
    %get3A_63 = arith.constant 0 : index
    %get3A_64 = vector.load %arg5[%get3A_62, %get3A_63] : memref<100x256xf32, #tpu.memory_space<vmem>>, vector<100x256xf32>
    %dot_general3A_65 = arith.constant dense<0.000000e+00> : vector<2000x256xf32>
    %dot_general3A_66 = tpu.matmul %slice3A, %get3A_64, %dot_general3A_65 {dimension_numbers = #tpu.dot_dimension_numbers<[1], [0], [0], [1], [0, 0, 1, 1], [], []>, transpose_lhs_hint = false} : vector<2000x100xf32>, vector<100x256xf32>, vector<2000x256xf32> -> vector<2000x256xf32>
    %slice3A_67 = vector.extract_strided_slice %mul3A_61 {offsets = [0, 100], sizes = [2000, 100], strides = [1, 1]} : vector<2000x200xf32> to vector<2000x100xf32>
    %get3A_68 = arith.constant 0 : index
    %get3A_69 = arith.constant 0 : index
    %get3A_70 = vector.load %arg6[%get3A_68, %get3A_69] : memref<100x40xf32, #tpu.memory_space<vmem>>, vector<100x40xf32>
    %dot_general3A_71 = arith.constant dense<0.000000e+00> : vector<2000x40xf32>
    %dot_general3A_72 = tpu.matmul %slice3A_67, %get3A_70, %dot_general3A_71 {dimension_numbers = #tpu.dot_dimension_numbers<[1], [0], [0], [1], [0, 0, 1, 1], [], []>, transpose_lhs_hint = false} : vector<2000x100xf32>, vector<100x40xf32>, vector<2000x40xf32> -> vector<2000x40xf32>
    %slice3A_73 = vector.extract_strided_slice %dot_general3A_66 {offsets = [0, 0], sizes = [2000, 128], strides = [1, 1]} : vector<2000x256xf32> to vector<2000x128xf32>
    %mul3A_74 = arith.mulf %get3A_1, %slice3A_73 : vector<2000x128xf32>
    %get3A_75 = arith.constant 0 : index
    %get3A_76 = arith.constant 0 : index
    %get3A_77 = vector.load %arg7[%get3A_75, %get3A_76] : memref<128x40xf32, #tpu.memory_space<vmem>>, vector<128x40xf32>
    %dot_general3A_78 = arith.constant dense<0.000000e+00> : vector<2000x40xf32>
    %dot_general3A_79 = tpu.matmul %mul3A_74, %get3A_77, %dot_general3A_78 {dimension_numbers = #tpu.dot_dimension_numbers<[1], [0], [0], [1], [0, 0, 1, 1], [], []>, transpose_lhs_hint = false} : vector<2000x128xf32>, vector<128x40xf32>, vector<2000x40xf32> -> vector<2000x40xf32>
    %slice3A_80 = vector.extract_strided_slice %dot_general3A_66 {offsets = [0, 128], sizes = [2000, 128], strides = [1, 1]} : vector<2000x256xf32> to vector<2000x128xf32>
    %mul3A_81 = arith.mulf %get3A_1, %slice3A_80 : vector<2000x128xf32>
    %get3A_82 = arith.constant 0 : index
    %get3A_83 = arith.constant 0 : index
    %get3A_84 = vector.load %arg8[%get3A_82, %get3A_83] : memref<128x20xf32, #tpu.memory_space<vmem>>, vector<128x20xf32>
    %dot_general3A_85 = arith.constant dense<0.000000e+00> : vector<2000x20xf32>
    %dot_general3A_86 = tpu.matmul %mul3A_81, %get3A_84, %dot_general3A_85 {dimension_numbers = #tpu.dot_dimension_numbers<[1], [0], [0], [1], [0, 0, 1, 1], [], []>, transpose_lhs_hint = false} : vector<2000x128xf32>, vector<128x20xf32>, vector<2000x20xf32> -> vector<2000x20xf32>
    %slice3A_87 = vector.extract_strided_slice %mul3A_14 {offsets = [0, 0], sizes = [2000, 1], strides = [1, 1]} : vector<2000x3xf32> to vector<2000x1xf32>
    %slice3A_88 = vector.extract_strided_slice %mul3A_14 {offsets = [0, 1], sizes = [2000, 1], strides = [1, 1]} : vector<2000x3xf32> to vector<2000x1xf32>
    %slice3A_89 = vector.extract_strided_slice %mul3A_14 {offsets = [0, 2], sizes = [2000, 1], strides = [1, 1]} : vector<2000x3xf32> to vector<2000x1xf32>
    %mul3A_90 = vector.broadcast %slice3A_87 : vector<2000x1xf32> to vector<2000x20xf32>
    %mul3A_91 = arith.mulf %dot_general3A_86, %mul3A_90 : vector<2000x20xf32>
    %mul3A_92 = vector.broadcast %slice3A_88 : vector<2000x1xf32> to vector<2000x20xf32>
    %mul3A_93 = arith.mulf %dot_general3A_86, %mul3A_92 : vector<2000x20xf32>
    %mul3A_94 = vector.broadcast %slice3A_89 : vector<2000x1xf32> to vector<2000x20xf32>
    %mul3A_95 = arith.mulf %dot_general3A_86, %mul3A_94 : vector<2000x20xf32>
    %broadcast_in_dim3A_96 = arith.constant 0.000000e+00 : f32
    %broadcast_in_dim3A_97 = vector.broadcast %broadcast_in_dim3A_96 : f32 to vector<2000x28xf32>
    %concatenate3A = tpu.concatenate %dot_general3A_79, %mul3A_91, %mul3A_93, %mul3A_95, %broadcast_in_dim3A_97 in 1 : vector<2000x40xf32>, vector<2000x20xf32>, vector<2000x20xf32>, vector<2000x20xf32>, vector<2000x28xf32> -> vector<2000x128xf32>
    %swap3A = arith.constant 0 : index
    %swap3A_98 = arith.constant 0 : index
    %swap3A_99 = vector.load %arg9[%swap3A, %swap3A_98] : memref<2000x128xf32, #tpu.memory_space<vmem>>, vector<2000x128xf32>
    tpu.vector_store %arg9[%swap3A, %swap3A_98], %concatenate3A {strides = array<i32>} : memref<2000x128xf32, #tpu.memory_space<vmem>>, vector<2000x128xf32>,
    %slice3A_100 = vector.extract_strided_slice %dot_general3A_72 {offsets = [0, 20], sizes = [2000, 20], strides = [1, 1]} : vector<2000x40xf32> to vector<2000x20xf32>
    %slice3A_101 = vector.extract_strided_slice %dot_general3A_72 {offsets = [0, 0], sizes = [2000, 20], strides = [1, 1]} : vector<2000x40xf32> to vector<2000x20xf32>
    %mul3A_102 = vector.broadcast %slice3A_87 : vector<2000x1xf32> to vector<2000x20xf32>
    %mul3A_103 = arith.mulf %slice3A_100, %mul3A_102 : vector<2000x20xf32>
    %mul3A_104 = vector.broadcast %slice3A_88 : vector<2000x1xf32> to vector<2000x20xf32>
    %mul3A_105 = arith.mulf %slice3A_100, %mul3A_104 : vector<2000x20xf32>
    %mul3A_106 = vector.broadcast %slice3A_89 : vector<2000x1xf32> to vector<2000x20xf32>
    %mul3A_107 = arith.mulf %slice3A_100, %mul3A_106 : vector<2000x20xf32>
    %broadcast_in_dim3A_108 = arith.constant 0.000000e+00 : f32
    %broadcast_in_dim3A_109 = vector.broadcast %broadcast_in_dim3A_108 : f32 to vector<2000x48xf32>
    %concatenate3A_110 = tpu.concatenate %slice3A_101, %mul3A_103, %mul3A_105, %mul3A_107, %broadcast_in_dim3A_109 in 1 : vector<2000x20xf32>, vector<2000x20xf32>, vector<2000x20xf32>, vector<2000x20xf32>, vector<2000x48xf32> -> vector<2000x128xf32>
    %swap3A_111 = arith.constant 0 : index
    %swap3A_112 = arith.constant 0 : index
    %swap3A_113 = vector.load %arg10[%swap3A_111, %swap3A_112] : memref<2000x128xf32, #tpu.memory_space<vmem>>, vector<2000x128xf32>
    tpu.vector_store %arg10[%swap3A_111, %swap3A_112], %concatenate3A_110 {strides = array<i32>} : memref<2000x128xf32, #tpu.memory_space<vmem>>, vector<2000x128xf32>,
    return
  }
  func.func @transform_0(%arg0: i32) -> (i32, i32) {
    %c0_i32 = arith.constant 0 : i32
    %c0_i32_0 = arith.constant 0 : i32
    return %arg0, %c0_i32 : i32, i32
  }
  func.func @transform_1(%arg0: i32) -> (i32, i32) {
    %c0_i32 = arith.constant 0 : i32
    %c0_i32_0 = arith.constant 0 : i32
    return %arg0, %c0_i32 : i32, i32
  }
  func.func @transform_2(%arg0: i32) -> (i32, i32) {
    %c0_i32 = arith.constant 0 : i32
    %c0_i32_0 = arith.constant 0 : i32
    return %arg0, %c0_i32 : i32, i32
  }
  func.func @transform_3(%arg0: i32) -> (i32, i32) {
    %c0_i32 = arith.constant 0 : i32
    %c0_i32_0 = arith.constant 0 : i32
    %c0_i32_1 = arith.constant 0 : i32
    return %c0_i32, %c0_i32_0 : i32, i32
  }
  func.func @transform_4(%arg0: i32) -> (i32, i32) {
    %c0_i32 = arith.constant 0 : i32
    %c0_i32_0 = arith.constant 0 : i32
    %c0_i32_1 = arith.constant 0 : i32
    return %c0_i32, %c0_i32_0 : i32, i32
  }
  func.func @transform_5(%arg0: i32) -> (i32, i32) {
    %c0_i32 = arith.constant 0 : i32
    %c0_i32_0 = arith.constant 0 : i32
    %c0_i32_1 = arith.constant 0 : i32
    return %c0_i32, %c0_i32_0 : i32, i32
  }
  func.func @transform_6(%arg0: i32) -> (i32, i32) {
    %c0_i32 = arith.constant 0 : i32
    %c0_i32_0 = arith.constant 0 : i32
    %c0_i32_1 = arith.constant 0 : i32
    return %c0_i32, %c0_i32_0 : i32, i32
  }
  func.func @transform_7(%arg0: i32) -> (i32, i32) {
    %c0_i32 = arith.constant 0 : i32
    %c0_i32_0 = arith.constant 0 : i32
    %c0_i32_1 = arith.constant 0 : i32
    return %c0_i32, %c0_i32_0 : i32, i32
  }
  func.func @transform_8(%arg0: i32) -> (i32, i32) {
    %c0_i32 = arith.constant 0 : i32
    %c0_i32_0 = arith.constant 0 : i32
    return %arg0, %c0_i32 : i32, i32
  }
  func.func @transform_9(%arg0: i32) -> (i32, i32) {
    %c0_i32 = arith.constant 0 : i32
    %c0_i32_0 = arith.constant 0 : i32
    return %arg0, %c0_i32 : i32, i32
  }
}

module attributes {stable_mosaic.version = 14 : i64} {
  func.func @_node_body(%arg0: i32, %arg1: memref<2x1000x128xf32, #tpu.memory_space<vmem>>, %arg2: memref<2x1000x128xf32, #tpu.memory_space<vmem>>, %arg3: memref<1000x128xf32, #tpu.memory_space<vmem>>, %arg4: memref<128x40xf32, #tpu.memory_space<vmem>>, %arg5: memref<40x4xf32, #tpu.memory_space<vmem>>, %arg6: memref<20x4xf32, #tpu.memory_space<vmem>>, %arg7: memref<1x4xf32, #tpu.memory_space<vmem>>, %arg8: memref<1x40xf32, #tpu.memory_space<vmem>>, %arg9: memref<1x20xf32, #tpu.memory_space<vmem>>) attributes {dimension_semantics = [#tpu.dimension_semantics<arbitrary>], iteration_bounds = array<i64: 10>, scalar_prefetch = 0 : i64, scratch_operands = 2 : i64, tpu.core_type = #tpu.core_type<tc>, window_params = [{transform_indices = @transform_0, window_bounds = array<i64: 2, 1000, 128>}, {transform_indices = @transform_1, window_bounds = array<i64: 2, 1000, 128>}, {transform_indices = @transform_2, window_bounds = array<i64: 1000, 128>}, {pipeline_mode = #tpu.pipeline_mode<synchronous>, transform_indices = @transform_3, window_bounds = array<i64: 128, 40>}, {pipeline_mode = #tpu.pipeline_mode<synchronous>, transform_indices = @transform_4, window_bounds = array<i64: 40, 4>}, {pipeline_mode = #tpu.pipeline_mode<synchronous>, transform_indices = @transform_5, window_bounds = array<i64: 20, 4>}, {pipeline_mode = #tpu.pipeline_mode<synchronous>, transform_indices = @transform_6, window_bounds = array<i64: 1, 4>}]} {
    %get3A = arith.constant 0 : index
    %get3A_0 = arith.constant 0 : index
    %get3A_1 = arith.constant 0 : index
    %get3A_2 = vector.load %arg1[%get3A, %get3A_0, %get3A_1] : memref<2x1000x128xf32, #tpu.memory_space<vmem>>, vector<1x1000x128xf32>
    %get3A_3 = vector.shape_cast %get3A_2 : vector<1x1000x128xf32> to vector<1000x128xf32>
    %get3A_4 = arith.constant 1 : index
    %get3A_5 = arith.constant 0 : index
    %get3A_6 = arith.constant 0 : index
    %get3A_7 = vector.load %arg1[%get3A_4, %get3A_5, %get3A_6] : memref<2x1000x128xf32, #tpu.memory_space<vmem>>, vector<1x1000x128xf32>
    %get3A_8 = vector.shape_cast %get3A_7 : vector<1x1000x128xf32> to vector<1000x128xf32>
    %add3A = arith.addf %get3A_3, %get3A_8 : vector<1000x128xf32>
    %get3A_9 = arith.constant 0 : index
    %get3A_10 = arith.constant 0 : index
    %get3A_11 = arith.constant 0 : index
    %get3A_12 = vector.load %arg2[%get3A_9, %get3A_10, %get3A_11] : memref<2x1000x128xf32, #tpu.memory_space<vmem>>, vector<1x1000x128xf32>
    %get3A_13 = vector.shape_cast %get3A_12 : vector<1x1000x128xf32> to vector<1000x128xf32>
    %get3A_14 = arith.constant 1 : index
    %get3A_15 = arith.constant 0 : index
    %get3A_16 = arith.constant 0 : index
    %get3A_17 = vector.load %arg2[%get3A_14, %get3A_15, %get3A_16] : memref<2x1000x128xf32, #tpu.memory_space<vmem>>, vector<1x1000x128xf32>
    %get3A_18 = vector.shape_cast %get3A_17 : vector<1x1000x128xf32> to vector<1000x128xf32>
    %add3A_19 = arith.addf %get3A_13, %get3A_18 : vector<1000x128xf32>
    %slice3A = vector.extract_strided_slice %add3A {offsets = [0, 0], sizes = [1000, 40], strides = [1, 1]} : vector<1000x128xf32> to vector<1000x40xf32>
    %mul3A = arith.constant 2.500000e-01 : f32
    %mul3A_20 = vector.broadcast %mul3A : f32 to vector<1000x40xf32>
    %mul3A_21 = arith.mulf %mul3A_20, %slice3A : vector<1000x40xf32>
    %get3A_22 = arith.constant 0 : index
    %get3A_23 = arith.constant 0 : index
    %get3A_24 = vector.load %arg3[%get3A_22, %get3A_23] : memref<1000x128xf32, #tpu.memory_space<vmem>>, vector<1000x128xf32>
    %get3A_25 = arith.constant 0 : index
    %get3A_26 = arith.constant 0 : index
    %get3A_27 = vector.load %arg4[%get3A_25, %get3A_26] : memref<128x40xf32, #tpu.memory_space<vmem>>, vector<128x40xf32>
    %dot_general3A = arith.constant dense<0.000000e+00> : vector<1000x40xf32>
    %dot_general3A_28 = tpu.matmul %get3A_24, %get3A_27, %dot_general3A {dimension_numbers = #tpu.dot_dimension_numbers<[1], [0], [0], [1], [0, 0, 1, 1], [], []>, transpose_lhs_hint = false} : vector<1000x128xf32>, vector<128x40xf32>, vector<1000x40xf32> -> vector<1000x40xf32>
    %add3A_29 = arith.addf %mul3A_21, %dot_general3A_28 : vector<1000x40xf32>
    %slice3A_30 = vector.extract_strided_slice %add3A_29 {offsets = [0, 0], sizes = [1000, 20], strides = [1, 1]} : vector<1000x40xf32> to vector<1000x20xf32>
    %logistic3A = arith.negf %slice3A_30 : vector<1000x20xf32>
    %logistic3A_31 = math.exp %logistic3A : vector<1000x20xf32>
    %logistic3A_32 = arith.constant 1.000000e+00 : f32
    %logistic3A_33 = vector.broadcast %logistic3A_32 : f32 to vector<1000x20xf32>
    %logistic3A_34 = arith.addf %logistic3A_33, %logistic3A_31 : vector<1000x20xf32>
    %logistic3A_35 = arith.divf %logistic3A_33, %logistic3A_34 : vector<1000x20xf32>
    %mul3A_36 = arith.mulf %slice3A_30, %logistic3A_35 : vector<1000x20xf32>
    %slice3A_37 = vector.extract_strided_slice %add3A_29 {offsets = [0, 20], sizes = [1000, 20], strides = [1, 1]} : vector<1000x40xf32> to vector<1000x20xf32>
    %logistic3A_38 = arith.negf %slice3A_37 : vector<1000x20xf32>
    %logistic3A_39 = math.exp %logistic3A_38 : vector<1000x20xf32>
    %logistic3A_40 = arith.constant 1.000000e+00 : f32
    %logistic3A_41 = vector.broadcast %logistic3A_40 : f32 to vector<1000x20xf32>
    %logistic3A_42 = arith.addf %logistic3A_41, %logistic3A_39 : vector<1000x20xf32>
    %logistic3A_43 = arith.divf %logistic3A_41, %logistic3A_42 : vector<1000x20xf32>
    %concatenate3A = tpu.concatenate %logistic3A_43, %logistic3A_43, %logistic3A_43 in 1 : vector<1000x20xf32>, vector<1000x20xf32>, vector<1000x20xf32> -> vector<1000x60xf32>
    %slice3A_44 = vector.extract_strided_slice %add3A {offsets = [0, 40], sizes = [1000, 60], strides = [1, 1]} : vector<1000x128xf32> to vector<1000x60xf32>
    %mul3A_45 = arith.constant 2.500000e-01 : f32
    %mul3A_46 = vector.broadcast %mul3A_45 : f32 to vector<1000x60xf32>
    %mul3A_47 = arith.mulf %mul3A_46, %slice3A_44 : vector<1000x60xf32>
    %mul3A_48 = arith.mulf %concatenate3A, %mul3A_47 : vector<1000x60xf32>
    %concatenate3A_49 = tpu.concatenate %mul3A_36, %mul3A_48 in 1 : vector<1000x20xf32>, vector<1000x60xf32> -> vector<1000x80xf32>
    %slice3A_50 = vector.extract_strided_slice %add3A_19 {offsets = [0, 0], sizes = [1000, 80], strides = [1, 1]} : vector<1000x128xf32> to vector<1000x80xf32>
    %mul3A_51 = arith.mulf %concatenate3A_49, %slice3A_50 : vector<1000x80xf32>
    %slice3A_52 = vector.extract_strided_slice %mul3A_51 {offsets = [0, 0], sizes = [1000, 20], strides = [1, 1]} : vector<1000x80xf32> to vector<1000x20xf32>
    %reduce_sum3A = arith.constant dense<0.000000e+00> : vector<20xf32>
    %reduce_sum3A_53 = vector.multi_reduction <add>, %slice3A_52, %reduce_sum3A [0] : vector<1000x20xf32> to vector<20xf32>
    %broadcast_in_dim3A = vector.shape_cast %reduce_sum3A_53 : vector<20xf32> to vector<1x20xf32>
    %slice3A_54 = vector.extract_strided_slice %mul3A_51 {offsets = [0, 20], sizes = [1000, 20], strides = [1, 1]} : vector<1000x80xf32> to vector<1000x20xf32>
    %slice3A_55 = vector.extract_strided_slice %mul3A_51 {offsets = [0, 40], sizes = [1000, 20], strides = [1, 1]} : vector<1000x80xf32> to vector<1000x20xf32>
    %add3A_56 = arith.addf %slice3A_54, %slice3A_55 : vector<1000x20xf32>
    %slice3A_57 = vector.extract_strided_slice %mul3A_51 {offsets = [0, 60], sizes = [1000, 20], strides = [1, 1]} : vector<1000x80xf32> to vector<1000x20xf32>
    %add3A_58 = arith.addf %add3A_56, %slice3A_57 : vector<1000x20xf32>
    %reduce_sum3A_59 = arith.constant dense<0.000000e+00> : vector<20xf32>
    %reduce_sum3A_60 = vector.multi_reduction <add>, %add3A_58, %reduce_sum3A_59 [0] : vector<1000x20xf32> to vector<20xf32>
    %broadcast_in_dim3A_61 = vector.shape_cast %reduce_sum3A_60 : vector<20xf32> to vector<1x20xf32>
    %concatenate3A_62 = tpu.concatenate %broadcast_in_dim3A, %broadcast_in_dim3A_61 in 1 : vector<1x20xf32>, vector<1x20xf32> -> vector<1x40xf32>
    %reduce_sum3A_63 = arith.constant dense<0.000000e+00> : vector<20xf32>
    %reduce_sum3A_64 = vector.multi_reduction <add>, %mul3A_36, %reduce_sum3A_63 [0] : vector<1000x20xf32> to vector<20xf32>
    %broadcast_in_dim3A_65 = vector.shape_cast %reduce_sum3A_64 : vector<20xf32> to vector<1x20xf32>
    %eq3A = arith.constant 0 : i32
    %eq3A_66 = arith.cmpi eq, %arg0, %eq3A : i32
    %convert_element_type3A = arith.extui %eq3A_66 : i1 to i32
    %cond3A = arith.constant 0 : i32
    %cond3A_67 = arith.cmpi ne, %convert_element_type3A, %cond3A : i32
    scf.if %cond3A_67 {
      %swap3A = arith.constant 0 : index
      %swap3A_77 = arith.constant 0 : index
      %swap3A_78 = vector.load %arg8[%swap3A, %swap3A_77] : memref<1x40xf32, #tpu.memory_space<vmem>>, vector<1x40xf32>
      tpu.vector_store %arg8[%swap3A, %swap3A_77], %concatenate3A_62 {strides = array<i32>} : memref<1x40xf32, #tpu.memory_space<vmem>>, vector<1x40xf32>,
      %swap3A_79 = arith.constant 0 : index
      %swap3A_80 = arith.constant 0 : index
      %swap3A_81 = vector.load %arg9[%swap3A_79, %swap3A_80] : memref<1x20xf32, #tpu.memory_space<vmem>>, vector<1x20xf32>
      tpu.vector_store %arg9[%swap3A_79, %swap3A_80], %broadcast_in_dim3A_65 {strides = array<i32>} : memref<1x20xf32, #tpu.memory_space<vmem>>, vector<1x20xf32>,
    } else {
    }
    %gt3A = arith.constant 0 : i32
    %gt3A_68 = arith.cmpi sgt, %arg0, %gt3A : i32
    %convert_element_type3A_69 = arith.extui %gt3A_68 : i1 to i32
    %cond3A_70 = arith.constant 0 : i32
    %cond3A_71 = arith.cmpi ne, %convert_element_type3A_69, %cond3A_70 : i32
    scf.if %cond3A_71 {
      %get3A_77 = arith.constant 0 : index
      %get3A_78 = arith.constant 0 : index
      %get3A_79 = vector.load %arg8[%get3A_77, %get3A_78] : memref<1x40xf32, #tpu.memory_space<vmem>>, vector<1x40xf32>
      %add3A_80 = arith.addf %get3A_79, %concatenate3A_62 : vector<1x40xf32>
      %swap3A = arith.constant 0 : index
      %swap3A_81 = arith.constant 0 : index
      %swap3A_82 = vector.load %arg8[%swap3A, %swap3A_81] : memref<1x40xf32, #tpu.memory_space<vmem>>, vector<1x40xf32>
      tpu.vector_store %arg8[%swap3A, %swap3A_81], %add3A_80 {strides = array<i32>} : memref<1x40xf32, #tpu.memory_space<vmem>>, vector<1x40xf32>,
      %get3A_83 = arith.constant 0 : index
      %get3A_84 = arith.constant 0 : index
      %get3A_85 = vector.load %arg9[%get3A_83, %get3A_84] : memref<1x20xf32, #tpu.memory_space<vmem>>, vector<1x20xf32>
      %add3A_86 = arith.addf %get3A_85, %broadcast_in_dim3A_65 : vector<1x20xf32>
      %swap3A_87 = arith.constant 0 : index
      %swap3A_88 = arith.constant 0 : index
      %swap3A_89 = vector.load %arg9[%swap3A_87, %swap3A_88] : memref<1x20xf32, #tpu.memory_space<vmem>>, vector<1x20xf32>
      tpu.vector_store %arg9[%swap3A_87, %swap3A_88], %add3A_86 {strides = array<i32>} : memref<1x20xf32, #tpu.memory_space<vmem>>, vector<1x20xf32>,
    } else {
    }
    %eq3A_72 = arith.constant 9 : i32
    %eq3A_73 = arith.cmpi eq, %arg0, %eq3A_72 : i32
    %convert_element_type3A_74 = arith.extui %eq3A_73 : i1 to i32
    %cond3A_75 = arith.constant 0 : i32
    %cond3A_76 = arith.cmpi ne, %convert_element_type3A_74, %cond3A_75 : i32
    scf.if %cond3A_76 {
      %get3A_77 = arith.constant 0 : index
      %get3A_78 = arith.constant 0 : index
      %get3A_79 = vector.load %arg8[%get3A_77, %get3A_78] : memref<1x40xf32, #tpu.memory_space<vmem>>, vector<1x40xf32>
      %get3A_80 = arith.constant 0 : index
      %get3A_81 = arith.constant 0 : index
      %get3A_82 = vector.load %arg5[%get3A_80, %get3A_81] : memref<40x4xf32, #tpu.memory_space<vmem>>, vector<40x4xf32>
      %dot_general3A_83 = arith.constant dense<0.000000e+00> : vector<1x4xf32>
      %dot_general3A_84 = tpu.matmul %get3A_79, %get3A_82, %dot_general3A_83 {dimension_numbers = #tpu.dot_dimension_numbers<[1], [0], [0], [1], [0, 0, 1, 1], [], []>, transpose_lhs_hint = false} : vector<1x40xf32>, vector<40x4xf32>, vector<1x4xf32> -> vector<1x4xf32>
      %mul3A_85 = arith.constant 2.500000e-01 : f32
      %mul3A_86 = vector.broadcast %mul3A_85 : f32 to vector<1x4xf32>
      %mul3A_87 = arith.mulf %mul3A_86, %dot_general3A_84 : vector<1x4xf32>
      %get3A_88 = arith.constant 0 : index
      %get3A_89 = arith.constant 0 : index
      %get3A_90 = vector.load %arg9[%get3A_88, %get3A_89] : memref<1x20xf32, #tpu.memory_space<vmem>>, vector<1x20xf32>
      %get3A_91 = arith.constant 0 : index
      %get3A_92 = arith.constant 0 : index
      %get3A_93 = vector.load %arg6[%get3A_91, %get3A_92] : memref<20x4xf32, #tpu.memory_space<vmem>>, vector<20x4xf32>
      %dot_general3A_94 = arith.constant dense<0.000000e+00> : vector<1x4xf32>
      %dot_general3A_95 = tpu.matmul %get3A_90, %get3A_93, %dot_general3A_94 {dimension_numbers = #tpu.dot_dimension_numbers<[1], [0], [0], [1], [0, 0, 1, 1], [], []>, transpose_lhs_hint = false} : vector<1x20xf32>, vector<20x4xf32>, vector<1x4xf32> -> vector<1x4xf32>
      %add3A_96 = arith.addf %mul3A_87, %dot_general3A_95 : vector<1x4xf32>
      %swap3A = arith.constant 0 : index
      %swap3A_97 = arith.constant 0 : index
      %swap3A_98 = vector.load %arg7[%swap3A, %swap3A_97] : memref<1x4xf32, #tpu.memory_space<vmem>>, vector<1x4xf32>
      tpu.vector_store %arg7[%swap3A, %swap3A_97], %add3A_96 {strides = array<i32>} : memref<1x4xf32, #tpu.memory_space<vmem>>, vector<1x4xf32>,
    } else {
    }
    return
  }
  func.func @transform_0(%arg0: i32) -> (i32, i32, i32) {
    %c0_i32 = arith.constant 0 : i32
    %c0_i32_0 = arith.constant 0 : i32
    %c0_i32_1 = arith.constant 0 : i32
    return %c0_i32, %arg0, %c0_i32_0 : i32, i32, i32
  }
  func.func @transform_1(%arg0: i32) -> (i32, i32, i32) {
    %c0_i32 = arith.constant 0 : i32
    %c0_i32_0 = arith.constant 0 : i32
    %c0_i32_1 = arith.constant 0 : i32
    return %c0_i32, %arg0, %c0_i32_0 : i32, i32, i32
  }
  func.func @transform_2(%arg0: i32) -> (i32, i32) {
    %c0_i32 = arith.constant 0 : i32
    %c0_i32_0 = arith.constant 0 : i32
    return %arg0, %c0_i32 : i32, i32
  }
  func.func @transform_3(%arg0: i32) -> (i32, i32) {
    %c0_i32 = arith.constant 0 : i32
    %c0_i32_0 = arith.constant 0 : i32
    %c0_i32_1 = arith.constant 0 : i32
    return %c0_i32, %c0_i32_0 : i32, i32
  }
  func.func @transform_4(%arg0: i32) -> (i32, i32) {
    %c0_i32 = arith.constant 0 : i32
    %c0_i32_0 = arith.constant 0 : i32
    %c0_i32_1 = arith.constant 0 : i32
    return %c0_i32, %c0_i32_0 : i32, i32
  }
  func.func @transform_5(%arg0: i32) -> (i32, i32) {
    %c0_i32 = arith.constant 0 : i32
    %c0_i32_0 = arith.constant 0 : i32
    %c0_i32_1 = arith.constant 0 : i32
    return %c0_i32, %c0_i32_0 : i32, i32
  }
  func.func @transform_6(%arg0: i32) -> (i32, i32) {
    %c0_i32 = arith.constant 0 : i32
    %c0_i32_0 = arith.constant 0 : i32
    %c0_i32_1 = arith.constant 0 : i32
    return %c0_i32, %c0_i32_0 : i32, i32
  }
}

</mosaic_0001>

<sc_bundles>
// kernel: kernel.11.cloned.1.call-start
scs
__scs_entry_jumppad:
0x0: {  	(pc) =	sbr.rel $0x88, $3  }
0x1: {  	(tag) =	ssettag $0x0;
	lr =	simm.s32 $0x1  }
0x2: {  	[smem:$0x3F95] =	sst lr;
	_ =	strace $0xD0000000  }
0x3: {  	_ = 	snop  }
0x4: {  	_ = 	snop  }
0x5: {  	_ = 	snop  }
0x6: {  	_ = 	snop  }
0x7: {  	_ = 	snop  }
__scs_overlays_trampoline_lowered:
0x8: {  	[smem:$0x3FA4] =	sst s0  }
0x9: {  	[smem:$0x3FA5] =	sst s1  }
0xa: {  	[smem:$0x3FA6] =	sst s2  }
0xb: {  	[smem:$0x3FA7] =	sst s3  }
0xc: {  	[smem:$0x3FA8] =	sst s4  }
0xd: {  	[smem:$0x3FA9] =	sst s5  }
0xe: {  	[smem:$0x3FAA] =	sst s6  }
0xf: {  	[smem:$0x3FAB] =	sst s7  }
0x10: {  	[smem:$0x3FAC] =	sst s8  }
0x11: {  	[smem:$0x3FAD] =	sst s9;
	s0 =	simm.s32 @!p0 $0x0  }
0x12: {  	s1 =	sld [smem:$0x3F93];
	s0 =	simm.s32 @p0 $0x1  }
0x13: {  	[smem:$0x3FAE] =	sst s0;
	s0 =	simm.s32 @!p1 $0x0  }
0x14: {  	s2 =	sld [smem:$0x3F92];
	s0 =	simm.s32 @p1 $0x1  }
0x15: {  	[smem:$0x3FAF] =	sst s0;
	s0 =	simm.s32 @!p2 $0x0  }
0x16: {  	s3 =	sld [smem:$0x3FDB];
	s0 =	simm.s32 @p2 $0x1  }
0x17: {  	s4 =	simm.s32 $0x1BF5;
	[smem:$0x3FB1] =	sst s0  }
0x18: {  	s0 =	sld [smem:$0x3F94];
	_ =	swait.ge [sflag:s4], $0x0  }
0x19: {  	s7 =	sld [smem:$0x3F95]  }
0x1a: {  	s8 =	sadd.s32 $0xFFFFE003, lr  }
0x1b: {  	s9 =	sadd.s32 $0xFFFFFEF7, lr;
	s5 =	simm.s32 $0xFFFFFFFF;
	p2 =	slt.u32 s8, $0xFFFFF086  }
0x1c: {  	p1 =	slt.u32 s9, $0xF7A;
	s5 =	simm.s32 @!p2 $0x0  }
0x1d: {  	s5 =	simm.s32 @p1 $0x1;
	p0 =	seq.s32 s7, s2  }
0x1e: {  	s7 =	smul.u32 @!p0 $0xF7A, s2;
	p2 =	seq.s32 @!p0 s5, $0x0  }
0x1f: {  	s9 =	smul.u32 $0xF7A, s1;
	s8 =	simm.s32 @!p0 $0x1BF5;
	p2 =	por !p2, p0  }
0x20: {  	[sflag:s8] =	ssyncset.s32 @!p0 $0xFFFFF086;
	s6 =	sadd.s32 @!p0 s3, s7;
	s7 =	simm.s32 @!p0 $0x108  }
0x21: {  	s3 =	sadd.s32 s3, s9;
	s6 =	sadd.s32 @!p0 $0x88, s6;
	s7 =	simm.s32 @p2 $0x1082  }
0x22: {  	[simem:s7], [sflag:s8] =	dma.local @!p0 [hbm:s6], $0xF7A  }
0x23: {  	s9 =	sor.u32 $0xD0000000, s2;
	s6 =	simm.s32 $0x108;
	_ =	swait.ge @!p0 [sflag:s8], $0x0  }
0x24: {  	s3 =	sadd.s32 $0x88, s3;
	s6 =	simm.s32 @!p1 $0x1082;
	[sflag:s4] =	ssyncset.s32 $0xFFFFF086  }
0x25: {  	[simem:s6], [sflag:s4] =	dma.local [hbm:s3], $0xF7A  }
0x26: {  	[smem:$0x3F95] =	sst s1;
	(tag) =	ssettag s2;
	_ =	strace s9  }
0x27: {  	s1 =	sld [smem:$0x3FA5]  }
0x28: {  	s2 =	sld [smem:$0x3FA6]  }
0x29: {  	s4 =	sld [smem:$0x3FA8]  }
0x2a: {  	p0 =	seq.s32 s5, $0x0;
	s5 =	sld [smem:$0x3FA9]  }
0x2b: {  	s6 =	sld [smem:$0x3FAA]  }
0x2c: {  	s7 =	sld [smem:$0x3FAB]  }
0x2d: {  	s3 =	simm.s32 $0x108;
	s8 =	sld [smem:$0x3FAC]  }
0x2e: {  	s3 =	simm.s32 @!p0 $0x1082;
	s9 =	sld [smem:$0x3FAD]  }
0x2f: {  	lr =	sadd.s32 s0, s3;
	s0 =	sld [smem:$0x3FA4]  }
0x30: {  	s3 =	sld [smem:$0x3FA7]  }
0x31: {  	[smem:$0x3FB0] =	sst s10  }
0x32: {  	s10 =	sld [smem:$0x3FAE];
	_ =	sdelay $0x3  }
0x33: {  	p0 =	seq.s32 s10, $0x1;
	s10 =	sld [smem:$0x3FB0];
	_ =	sdelay $0x3  }
0x34: {  	[smem:$0x3FB0] =	sst s10  }
0x35: {  	s10 =	sld [smem:$0x3FAF];
	_ =	sdelay $0x3  }
0x36: {  	p1 =	seq.s32 s10, $0x1;
	s10 =	sld [smem:$0x3FB0];
	_ =	sdelay $0x3  }
0x37: {  	[smem:$0x3FB0] =	sst s10  }
0x38: {  	s10 =	sld [smem:$0x3FB1]  }
0x39: {  	_ = 	snop;
	(pc) =	sbr.ind lr, $3  }
0x3a: {  	_ = 	snop  }
0x3b: {  	_ = 	snop  }
0x3c: {  	p2 =	seq.s32 s10, $0x1;
	s10 =	sld [smem:$0x3FB0]  }
0x3d: {  	_ =	shalt  }
0x3e: {  	_ =	shalt  }
0x3f: {  	_ =	shalt  }
0x40: {  	_ =	shalt  }
0x41: {  	_ =	shalt  }
0x42: {  	_ =	shalt  }
0x43: {  	_ =	shalt  }
0x44: {  	_ =	shalt  }
0x45: {  	_ =	shalt  }
0x46: {  	_ =	shalt  }
0x47: {  	_ =	shalt  }
0x48: {  	_ =	shalt  }
0x49: {  	_ =	shalt  }
0x4a: {  	_ =	shalt  }
0x4b: {  	_ =	shalt  }
0x4c: {  	_ =	shalt  }
0x4d: {  	_ =	shalt  }
0x4e: {  	_ =	shalt  }
0x4f: {  	_ =	shalt  }
0x50: {  	_ =	shalt  }
0x51: {  	_ =	shalt  }
0x52: {  	_ =	shalt  }
0x53: {  	_ =	shalt  }
0x54: {  	_ =	shalt  }
0x55: {  	_ =	shalt  }
0x56: {  	_ =	shalt  }
0x57: {  	_ =	shalt  }
0x58: {  	_ =	shalt  }
0x59: {  	_ =	shalt  }
0x5a: {  	_ =	shalt  }
0x5b: {  	_ =	shalt  }
0x5c: {  	_ =	shalt  }
0x5d: {  	_ =	shalt  }
0x5e: {  	_ =	shalt  }
0x5f: {  	_ =	shalt  }
0x60: {  	_ =	shalt  }
0x61: {  	_ =	shalt  }
0x62: {  	_ =	shalt  }
0x63: {  	_ =	shalt  }
0x64: {  	_ =	shalt  }
0x65: {  	_ =	shalt  }
0x66: {  	_ =	shalt  }
0x67: {  	_ =	shalt  }
0x68: {  	_ =	shalt  }
0x69: {  	_ =	shalt  }
0x6a: {  	_ =	shalt  }
0x6b: {  	_ =	shalt  }
0x6c: {  	_ =	shalt  }
0x6d: {  	_ =	shalt  }
0x6e: {  	_ =	shalt  }
0x6f: {  	_ =	shalt  }
0x70: {  	_ =	shalt  }
0x71: {  	_ =	shalt  }
0x72: {  	_ =	shalt  }
0x73: {  	_ =	shalt  }
0x74: {  	_ =	shalt  }
0x75: {  	_ =	shalt  }
0x76: {  	_ =	shalt  }
0x77: {  	_ =	shalt  }
0x78: {  	_ =	shalt  }
0x79: {  	_ =	shalt  }
0x7a: {  	_ =	shalt  }
0x7b: {  	_ =	shalt  }
0x7c: {  	_ =	shalt  }
0x7d: {  	_ =	shalt  }
0x7e: {  	_ =	shalt  }
0x7f: {  	_ =	shalt  }
0x80: {  	_ =	shalt  }
0x81: {  	_ =	shalt  }
0x82: {  	_ =	shalt  }
0x83: {  	_ =	shalt  }
0x84: {  	_ =	shalt  }
0x85: {  	_ =	shalt  }
0x86: {  	_ =	shalt  }
0x87: {  	_ =	shalt  }
.Lfunc_end0:
.L_simem_size_0:
called_computation.1_lowered:
.L_overlay_start_0:
0x88: {  	s2 =	sld [smem:$0x3FD9]  }
0x89: {  	s3 =	sld [smem:$0x3FFE];
	_ =	sdelay $0x1  }
0x8a: {  	s1 =	srdreg.scid  }
0x8b: {  	s0 =	sand.u32 $0x1, s1  }
0x8c: {  	s17 =	sshll.u32 s0, $0xA;
	s2 =	sadd.s32 s3, s2  }
0x8d: {  	s2 =	sadd.s32 s2, s17  }
0x8e: {  	[smem:$0x3FBC] =	sst s2  }
0x8f: {  	_ = 	snop  }
0x90: {  	s18 =	sld [smem:$0x3FC8];
	(tm) =	ssettm $0x1  }
0x91: {  	s19 =	sld [smem:$0x3FFB];
	_ =	sdelay $0x3  }
0x92: {  	_ =	strace s19  }
0x93: {  	s2 =	sld [smem:$0x3FFC];
	_ =	sdelay $0x3  }
0x94: {  	_ =	strace s2  }
0x95: {  	s2 =	sld [smem:$0x3FFD];
	_ =	sdelay $0x3  }
0x96: {  	_ =	strace s2  }
0x97: {  	_ =	strace $0x8FFFFFFF  }
0x98: {  	s20 =	sld [smem:$0x3FDB];
	_ =	sdelay $0x1  }
0x99: {  	s4 =	simm.s32 $_scs_section_size  }
0x9a: {  	s5 =	simm.s32 $_size__tile_overlayer_lowered;
	s6 =	simm.s32 $_tile_overlayer_lowered  }
0x9b: {  	s7 =	simm.s32 $0x1BFF;
	s21 =	sshll.u32 s6, $0x1;
	s4 =	sadd.s32 s4, s20  }
0x9c: {  	s22 =	simm.s32 $0x0;
	s5 =	sshll.u32 s5, $0x1;
	s6 =	sadd.s32 s21, s4  }
0x9d: {  	[timem:s22], [sflag:s7] =	dma.local [hbm:s6], s5  }
0x9e: {  	_ =	swait.ge [sflag:s7], s5  }
0x9f: {  	s5 =	ssub.s32 $0x0, s5;
	[sflag:s7] =	ssyncset.done $0x0  }
0xa0: {  	[sflag:s7] =	ssyncadd.s32 s5;
	_ =	sdelay $0x1  }
0xa1: {  	s23 =	simm.s32 $0x1B8B  }
0xa2: {  	_ =	swait.ge [sflag:s23], $0x1  }
0xa3: {  	[sflag:s23] =	ssyncset.done $0x0  }
0xa4: {  	[sflag:s23] =	ssyncadd.s32 $0xFFFFFFFF  }
0xa5: {  	s5 =	sld [smem:$0x0]  }
0xa6: {  	s6 =	sand.u32 $0xFFFFFFFE, s1  }
0xa7: {  	p0 =	sne.s32 s1, s6  }
0xa8: {  	s6 =	sshll.u32 @p0 s6, $0xE  }
0xa9: {  	s6 =	sadd.s32 @p0 $0x11B8D, s6;
	s7 =	sshll.u32 @p0 s5, $0x11  }
0xaa: {  	s6 =	sor.u32 @p0 s7, s6  }
0xab: {  	[sflag:s6] =	ssyncadd.remote.s32 @p0 $0x1;
	_ =	sdelay $0x1  }
0xac: {  	s6 =	simm.s32 @p0 $0x1B8D  }
0xad: {  	_ =	swait.eq @p0 [sflag:s6], $0x1  }
0xae: {  	[sflag:s6] =	ssyncadd.s32 @p0 $0xFFFFFFFF  }
0xaf: {  	s7 =	sshll.u32 @!p0 s1, $0xE  }
0xb0: {  	s7 =	sor.u32 @!p0 $0x4000, s7;
	s6 =	simm.s32 @!p0 $0x1B8D  }
0xb1: {  	s5 =	sshll.u32 @!p0 s5, $0x11;
	s7 =	sadd.s32 @!p0 $0x11B8D, s7;
	_ =	swait.eq @!p0 [sflag:s6], $0x1  }
0xb2: {  	s5 =	sor.u32 @!p0 s5, s7;
	[sflag:s6] =	ssyncadd.s32 @!p0 $0xFFFFFFFF  }
0xb3: {  	s25 =	simm.s32 $0x1B8E;
	s24 =	sld [smem:$0x3FFE];
	[sflag:s5] =	ssyncadd.remote.s32 @!p0 $0x1  }
0xb4: {  	s26 =	simm.s32 $execute0_lowered;
	[smem:$0x3FD2] =	sst s25  }
0xb5: {  	s6 =	sshll.u32 s26, $0x1;
	_ =	strace $0x80000049;
	[dreg:$0x1] =	wrdreg $0xFFFFFFFF  }
0xb6: {  	s28 =	simm.s32 $_size_execute0_lowered;
	s4 =	sadd.s32 s4, s6;
	[dreg:$0x0] =	wrdreg $0x0  }
0xb7: {  	s6 =	sshll.u32 s28, $0x1;
	[dreg:$0x2] =	wrdreg s4  }
0xb8: {  	[dreg:$0x3] =	wrdreg s6  }
0xb9: {  	[dreg:$0x4] =	wrdreg $0xC0  }
0xba: {  	_ =	task [dreg:s22], $0x5FFFF  }
0xbb: {  	[dreg:$0x1] =	wrdreg $0xFFFFFFFF  }
0xbc: {  	[dreg:$0x0] =	wrdreg $0x60  }
0xbd: {  	[dreg:$0x2] =	wrdreg s18  }
0xbe: {  	[dreg:$0x3] =	wrdreg s24  }
0xbf: {  	[dreg:$0x4] =	wrdreg $0xA  }
0xc0: {  	_ =	task.clear_ibuf [dreg:s22], $0x5FFFF;
	_ =	strace $0x90000049  }
0xc1: {  	s29 =	simm.s32 $0xA;
	_ =	strace $0x8000004B  }
0xc2: {  	_ =	swait.ge [sflag:s29], $0x1  }
0xc3: {  	[sflag:s29] =	ssyncadd.s32 $0xFFFFFFFF  }
0xc4: {  	_ =	strace $0x9000004B  }
0xc5: {  	_ =	sfence  }
0xc6: {  	s30 =	sld [smem:$0x0];
	_ =	sdelay $0x2  }
0xc7: {  	s31 =	sshll.u32 s1, $0xD;
	s1 =	sshrl.u32 s1, $0x2  }
0xc8: {  	s4 =	sand.u32 $0x4000, s31;
	s1 =	sadd.s32 s1, s30  }
0xc9: {  	s0 =	sor.u32 s4, s0;
	s1 =	sshll.u32 s1, $0x11  }
0xca: {  	s0 =	sor.u32 s1, s0  }
0xcb: {  	s0 =	sadd.s32 $0x8F2B, s0  }
0xcc: {  	[sflag:s0] =	ssyncadd.remote.s32 $0x1  }
0xcd: {  	_ =	sfence.sel $0xFFFF  }
0xce: {  	[dreg:$0x0] =	wrdreg $0xFFFFFFFF;
	(pc) =	sbr.abs _section_cstart, $3  }
0xcf: {  	[dreg:$0x1] =	wrdreg $0xFFFFFFFF  }
0xd0: {  	_ =	task.clear_ibuf [dreg:s22], $0x2FFFF;
	_ =	strace $0x9FFFFFFF  }
0xd1: {  	(tm) =	ssettm $0x7FFFFFFF  }
tec
execute0_lowered:
.L_overlay_start_1:
0x0: {  	(tag) =	ssettag $0x1  }
0x1: {  	s2 =	rddreg [dreg:$0x0];
	s1 =	srdreg.scid  }
0x2: {  	s0 =	stileid.u32;
	s4 =	rddreg [dreg:$0x1];
	s3 =	simm.s32 $0x0  }
0x3: {  	s10 =	simm.s32 $0x1;
	s11 =	simm.s32 $0x0;
	s6 =	smul.u32 $0x2710, s0  }
0x4: {  	s5 =	sand.u32 $0x1, s1;
	s1 =	rddreg [dreg:$0x2];
	s8 =	smul.u32 $0x27100, s0  }
0x5: {  	[smem:$0x7FF] =	sst s3;
	s7 =	smul.u32 $0x1388, s5;
	s9 =	ssub.s32 $0x2, s5  }
0x6: {  	_ =	strace $0x8000004A;
	s5 =	smul.u32 $0x13880, s5;
	s31 =	sshrl.u32 s9, $0x1  }
0x7: {  	s30 =	sadd.s32 s8, s4;
	s6 =	sadd.s32 s7, s6;
	s8 =	ssub.s32 s9, s31  }
0x8: {  	s5 =	sadd.s32 s5, s30;
	s7 =	simm.s32 $0x2;
	s6 =	sshrl.u32 s6, $0x3  }
0x9: {  	s9 =	simm.s32 $0x100;
	s5 =	sadd.s32 $0xADA00, s5;
	s6 =	sadd.s32 s6, s4  }
0xa: {  	s4 =	smax.u32 s8, $0x1;
	s8 =	simm.s32 $0xC8;
	s6 =	sadd.s32 $0x2600, s6  }
.LBB2_1:
0xb: {  	s12 =	sadd.s32 $0x0, s6  }
0xc: {  	[tilespmem:s3], [sflag:$0x2] =	stream.linear.gather [hbm4b:s12+s3], $0xC8, $0x38;
	[tilespmem:$0x6500] =	vst v63  }
0xd: {  	_ =	swait.ge [sflag:s7], $0xC8  }
0xe: {  	[sflag:s7] =	ssyncset.done $0x0  }
0xf: {  	[sflag:s7] =	ssyncadd.s32 $0xFFFFFF38  }
0x10: {  	[tilespmem:s9], [sflag:$0x1] =	stream.indirect.gather [hbm4b:s2+s8], $0x80, s3, s8, $0xb8;
	[tilespmem:$0x6500] =	vst v63  }
0x11: {  	_ =	swait.ge [sflag:s10], $0x6400  }
0x12: {  	[sflag:s10] =	ssyncset.done $0x0  }
0x13: {  	[sflag:s10] =	ssyncadd.s32 $0xFFFF9C00  }
0x14: {  	[hbm4b:s5+s3] =	stream.linear.scatter [tilespmem:s9], [sflag:$0x2], $0x6400, $0x38;
	[tilespmem:$0x6500] =	vst v63  }
0x15: {  	s13 =	simm.s32 $0x19;
	_ =	swait.ge [sflag:s7], $0x6400  }
0x16: {  	s14 =	simm.s32 $0x32;
	s12 =	sadd.s32 $0xC80, s5;
	[sflag:s7] =	ssyncset.done $0x0  }
.LBB2_2:
0x17: {  	s15 =	sadd.s32 s13, s6  }
0x18: {  	[sflag:s7] =	ssyncadd.s32 $0xFFFF9C00;
	s13 =	smov.u32 s14;
	s16 =	sadd.s32 $0x19, s14  }
0x19: {  	[tilespmem:s3], [sflag:$0x2] =	stream.linear.gather [hbm4b:s15+s3], $0xC8, $0x38;
	[tilespmem:$0x6500] =	vst v63  }
0x1a: {  	p0 =	sne.s32 s14, $0x258;
	_ =	swait.ge [sflag:s7], $0xC8  }
0x1b: {  	[sflag:s7] =	ssyncset.done $0x0  }
0x1c: {  	[sflag:s7] =	ssyncadd.s32 $0xFFFFFF38  }
0x1d: {  	[tilespmem:s9], [sflag:$0x1] =	stream.indirect.gather [hbm4b:s2+s8], $0x80, s3, s8, $0xb8;
	[tilespmem:$0x6500] =	vst v63  }
0x1e: {  	_ =	swait.ge [sflag:s10], $0x6400  }
.Ltmp0:
0x1f: {  	[sflag:s10] =	ssyncset.done $0x0;
	(pc) =	sbr.rel @p0 .LBB2_2-.Ltmp0, $4  }
0x20: {  	[sflag:s10] =	ssyncadd.s32 $0xFFFF9C00  }
0x21: {  	[hbm4b:s12+s3] =	stream.linear.scatter [tilespmem:s9], [sflag:$0x2], $0x6400, $0x38;
	[tilespmem:$0x6500] =	vst v63  }
0x22: {  	_ =	swait.ge [sflag:s7], $0x6400  }
0x23: {  	s14 =	smov.u32 s16;
	s12 =	sadd.s32 $0xC80, s12;
	[sflag:s7] =	ssyncset.done $0x0  }
0x24: {  	s13 =	sadd.s32 s13, s6;
	[sflag:s7] =	ssyncadd.s32 $0xFFFF9C00  }
0x25: {  	[tilespmem:s3], [sflag:$0x2] =	stream.linear.gather [hbm4b:s13+s3], $0xC8, $0x38;
	[tilespmem:$0x6500] =	vst v63  }
0x26: {  	_ =	swait.ge [sflag:s7], $0xC8  }
0x27: {  	[sflag:s7] =	ssyncset.done $0x0  }
0x28: {  	[sflag:s7] =	ssyncadd.s32 $0xFFFFFF38  }
0x29: {  	[tilespmem:s9], [sflag:$0x1] =	stream.indirect.gather [hbm4b:s2+s8], $0x80, s3, s8, $0xb8;
	[tilespmem:$0x6500] =	vst v63  }
0x2a: {  	s11 =	sadd.s32 $0x1, s11;
	_ =	swait.ge [sflag:s10], $0x6400  }
0x2b: {  	p0 =	sne.s32 s11, s4;
	[sflag:s10] =	ssyncset.done $0x0  }
.Ltmp1:
0x2c: {  	[sflag:s10] =	ssyncadd.s32 $0xFFFF9C00;
	(pc) =	sbr.rel @p0 .LBB2_1-.Ltmp1, $4  }
0x2d: {  	[hbm4b:s12+s3] =	stream.linear.scatter [tilespmem:s9], [sflag:$0x2], $0x6400, $0x38;
	[tilespmem:$0x6500] =	vst v63  }
0x2e: {  	_ =	swait.ge [sflag:s7], $0x6400  }
0x2f: {  	[sflag:s7] =	ssyncset.done $0x0  }
0x30: {  	[sflag:s7] =	ssyncadd.s32 $0xFFFF9C00  }
0x31: {  	_ =	sfence.sel $0x180000  }
0x32: {  	[bflag:$0x0] =	sbarrier.arrive $0xFFFF  }
0x33: {  	p0 =	sne.s32 s0, $0x0;
	_ =	strace $0x9000004A  }
0x34: {  	s0 =	sadd.s32 @!p0 $0x100000, s1;
	[bflag:$0x2] =	sbarrier.arrive $0xFFFF  }
0x35: {  	[sflag:s0] =	ssyncadd.tile.s32 @!p0 $0x1;
	_ =	shalt  }
.Lfunc_end2:
_tile_overlayer_lowered:
.L_overlay_start_2:
0x36: {  	(tag) =	ssettag $0x2  }
0x37: {  	s0 =	rddreg [dreg:$0x0];
	s2 =	stileid.u32  }
0x38: {  	s1 =	rddreg [dreg:$0x1];
	p0 =	sne.s32 s2, $0x0  }
0x39: {  	s3 =	rddreg [dreg:$0x2];
	[bflag:$0x3] =	sbarrier.arrive $0xFFFF;
	s2 =	simm.s32 @!p0 $0x1C02  }
0x3a: {  	[timem:s3], [sflag:s2] =	dma.local @!p0 [hbm:s0], s1  }
0x3b: {  	s0 =	simm.s32 @!p0 $0x2  }
0x3c: {  	_ =	swait.ge @!p0 [sflag:s0], s1  }
0x3d: {  	s1 =	ssub.s32 @!p0 $0x0, s1;
	[sflag:s0] =	ssyncset.done @!p0 $0x0  }
0x3e: {  	[sflag:s0] =	ssyncadd.s32 @!p0 s1  }
0x3f: {  	[bflag:$0x3] =	sbarrier.arrive $0xFFFF  }
0x40: {  	_ =	shalt  }

// kernel: kernel.14.cloned.1.call-start
scs
__scs_entry_jumppad:
0x0: {  	(pc) =	sbr.rel $0x88, $3  }
0x1: {  	(tag) =	ssettag $0x0;
	lr =	simm.s32 $0x1  }
0x2: {  	[smem:$0x3F95] =	sst lr;
	_ =	strace $0xD0000000  }
0x3: {  	_ = 	snop  }
0x4: {  	_ = 	snop  }
0x5: {  	_ = 	snop  }
0x6: {  	_ = 	snop  }
0x7: {  	_ = 	snop  }
__scs_overlays_trampoline_lowered:
0x8: {  	[smem:$0x3FA4] =	sst s0  }
0x9: {  	[smem:$0x3FA5] =	sst s1  }
0xa: {  	[smem:$0x3FA6] =	sst s2  }
0xb: {  	[smem:$0x3FA7] =	sst s3  }
0xc: {  	[smem:$0x3FA8] =	sst s4  }
0xd: {  	[smem:$0x3FA9] =	sst s5  }
0xe: {  	[smem:$0x3FAA] =	sst s6  }
0xf: {  	[smem:$0x3FAB] =	sst s7  }
0x10: {  	[smem:$0x3FAC] =	sst s8  }
0x11: {  	[smem:$0x3FAD] =	sst s9;
	s0 =	simm.s32 @!p0 $0x0  }
0x12: {  	s1 =	sld [smem:$0x3F93];
	s0 =	simm.s32 @p0 $0x1  }
0x13: {  	[smem:$0x3FAE] =	sst s0;
	s0 =	simm.s32 @!p1 $0x0  }
0x14: {  	s2 =	sld [smem:$0x3F92];
	s0 =	simm.s32 @p1 $0x1  }
0x15: {  	[smem:$0x3FAF] =	sst s0;
	s0 =	simm.s32 @!p2 $0x0  }
0x16: {  	s3 =	sld [smem:$0x3FDB];
	s0 =	simm.s32 @p2 $0x1  }
0x17: {  	s4 =	simm.s32 $0x1BF5;
	[smem:$0x3FB1] =	sst s0  }
0x18: {  	s0 =	sld [smem:$0x3F94];
	_ =	swait.ge [sflag:s4], $0x0  }
0x19: {  	s7 =	sld [smem:$0x3F95]  }
0x1a: {  	s8 =	sadd.s32 $0xFFFFE003, lr  }
0x1b: {  	s9 =	sadd.s32 $0xFFFFFEF7, lr;
	s5 =	simm.s32 $0xFFFFFFFF;
	p2 =	slt.u32 s8, $0xFFFFF086  }
0x1c: {  	p1 =	slt.u32 s9, $0xF7A;
	s5 =	simm.s32 @!p2 $0x0  }
0x1d: {  	s5 =	simm.s32 @p1 $0x1;
	p0 =	seq.s32 s7, s2  }
0x1e: {  	s7 =	smul.u32 @!p0 $0xF7A, s2;
	p2 =	seq.s32 @!p0 s5, $0x0  }
0x1f: {  	s9 =	smul.u32 $0xF7A, s1;
	s8 =	simm.s32 @!p0 $0x1BF5;
	p2 =	por !p2, p0  }
0x20: {  	[sflag:s8] =	ssyncset.s32 @!p0 $0xFFFFF086;
	s6 =	sadd.s32 @!p0 s3, s7;
	s7 =	simm.s32 @!p0 $0x108  }
0x21: {  	s3 =	sadd.s32 s3, s9;
	s6 =	sadd.s32 @!p0 $0x88, s6;
	s7 =	simm.s32 @p2 $0x1082  }
0x22: {  	[simem:s7], [sflag:s8] =	dma.local @!p0 [hbm:s6], $0xF7A  }
0x23: {  	s9 =	sor.u32 $0xD0000000, s2;
	s6 =	simm.s32 $0x108;
	_ =	swait.ge @!p0 [sflag:s8], $0x0  }
0x24: {  	s3 =	sadd.s32 $0x88, s3;
	s6 =	simm.s32 @!p1 $0x1082;
	[sflag:s4] =	ssyncset.s32 $0xFFFFF086  }
0x25: {  	[simem:s6], [sflag:s4] =	dma.local [hbm:s3], $0xF7A  }
0x26: {  	[smem:$0x3F95] =	sst s1;
	(tag) =	ssettag s2;
	_ =	strace s9  }
0x27: {  	s1 =	sld [smem:$0x3FA5]  }
0x28: {  	s2 =	sld [smem:$0x3FA6]  }
0x29: {  	s4 =	sld [smem:$0x3FA8]  }
0x2a: {  	p0 =	seq.s32 s5, $0x0;
	s5 =	sld [smem:$0x3FA9]  }
0x2b: {  	s6 =	sld [smem:$0x3FAA]  }
0x2c: {  	s7 =	sld [smem:$0x3FAB]  }
0x2d: {  	s3 =	simm.s32 $0x108;
	s8 =	sld [smem:$0x3FAC]  }
0x2e: {  	s3 =	simm.s32 @!p0 $0x1082;
	s9 =	sld [smem:$0x3FAD]  }
0x2f: {  	lr =	sadd.s32 s0, s3;
	s0 =	sld [smem:$0x3FA4]  }
0x30: {  	s3 =	sld [smem:$0x3FA7]  }
0x31: {  	[smem:$0x3FB0] =	sst s10  }
0x32: {  	s10 =	sld [smem:$0x3FAE];
	_ =	sdelay $0x3  }
0x33: {  	p0 =	seq.s32 s10, $0x1;
	s10 =	sld [smem:$0x3FB0];
	_ =	sdelay $0x3  }
0x34: {  	[smem:$0x3FB0] =	sst s10  }
0x35: {  	s10 =	sld [smem:$0x3FAF];
	_ =	sdelay $0x3  }
0x36: {  	p1 =	seq.s32 s10, $0x1;
	s10 =	sld [smem:$0x3FB0];
	_ =	sdelay $0x3  }
0x37: {  	[smem:$0x3FB0] =	sst s10  }
0x38: {  	s10 =	sld [smem:$0x3FB1]  }
0x39: {  	_ = 	snop;
	(pc) =	sbr.ind lr, $3  }
0x3a: {  	_ = 	snop  }
0x3b: {  	_ = 	snop  }
0x3c: {  	p2 =	seq.s32 s10, $0x1;
	s10 =	sld [smem:$0x3FB0]  }
0x3d: {  	_ =	shalt  }
0x3e: {  	_ =	shalt  }
0x3f: {  	_ =	shalt  }
0x40: {  	_ =	shalt  }
0x41: {  	_ =	shalt  }
0x42: {  	_ =	shalt  }
0x43: {  	_ =	shalt  }
0x44: {  	_ =	shalt  }
0x45: {  	_ =	shalt  }
0x46: {  	_ =	shalt  }
0x47: {  	_ =	shalt  }
0x48: {  	_ =	shalt  }
0x49: {  	_ =	shalt  }
0x4a: {  	_ =	shalt  }
0x4b: {  	_ =	shalt  }
0x4c: {  	_ =	shalt  }
0x4d: {  	_ =	shalt  }
0x4e: {  	_ =	shalt  }
0x4f: {  	_ =	shalt  }
0x50: {  	_ =	shalt  }
0x51: {  	_ =	shalt  }
0x52: {  	_ =	shalt  }
0x53: {  	_ =	shalt  }
0x54: {  	_ =	shalt  }
0x55: {  	_ =	shalt  }
0x56: {  	_ =	shalt  }
0x57: {  	_ =	shalt  }
0x58: {  	_ =	shalt  }
0x59: {  	_ =	shalt  }
0x5a: {  	_ =	shalt  }
0x5b: {  	_ =	shalt  }
0x5c: {  	_ =	shalt  }
0x5d: {  	_ =	shalt  }
0x5e: {  	_ =	shalt  }
0x5f: {  	_ =	shalt  }
0x60: {  	_ =	shalt  }
0x61: {  	_ =	shalt  }
0x62: {  	_ =	shalt  }
0x63: {  	_ =	shalt  }
0x64: {  	_ =	shalt  }
0x65: {  	_ =	shalt  }
0x66: {  	_ =	shalt  }
0x67: {  	_ =	shalt  }
0x68: {  	_ =	shalt  }
0x69: {  	_ =	shalt  }
0x6a: {  	_ =	shalt  }
0x6b: {  	_ =	shalt  }
0x6c: {  	_ =	shalt  }
0x6d: {  	_ =	shalt  }
0x6e: {  	_ =	shalt  }
0x6f: {  	_ =	shalt  }
0x70: {  	_ =	shalt  }
0x71: {  	_ =	shalt  }
0x72: {  	_ =	shalt  }
0x73: {  	_ =	shalt  }
0x74: {  	_ =	shalt  }
0x75: {  	_ =	shalt  }
0x76: {  	_ =	shalt  }
0x77: {  	_ =	shalt  }
0x78: {  	_ =	shalt  }
0x79: {  	_ =	shalt  }
0x7a: {  	_ =	shalt  }
0x7b: {  	_ =	shalt  }
0x7c: {  	_ =	shalt  }
0x7d: {  	_ =	shalt  }
0x7e: {  	_ =	shalt  }
0x7f: {  	_ =	shalt  }
0x80: {  	_ =	shalt  }
0x81: {  	_ =	shalt  }
0x82: {  	_ =	shalt  }
0x83: {  	_ =	shalt  }
0x84: {  	_ =	shalt  }
0x85: {  	_ =	shalt  }
0x86: {  	_ =	shalt  }
0x87: {  	_ =	shalt  }
.Lfunc_end0:
.L_simem_size_0:
called_computation.2_lowered:
.L_overlay_start_0:
0x88: {  	s2 =	sld [smem:$0x3FD9]  }
0x89: {  	s3 =	sld [smem:$0x3FFE];
	_ =	sdelay $0x1  }
0x8a: {  	s1 =	srdreg.scid  }
0x8b: {  	s0 =	sand.u32 $0x1, s1  }
0x8c: {  	s17 =	sshll.u32 s0, $0xA;
	s2 =	sadd.s32 s3, s2  }
0x8d: {  	s2 =	sadd.s32 s2, s17  }
0x8e: {  	[smem:$0x3FBC] =	sst s2  }
0x8f: {  	_ = 	snop  }
0x90: {  	(tm) =	ssettm $0x1  }
0x91: {  	s18 =	sld [smem:$0x3FFB];
	_ =	sdelay $0x3  }
0x92: {  	_ =	strace s18  }
0x93: {  	s2 =	sld [smem:$0x3FFC];
	_ =	sdelay $0x3  }
0x94: {  	_ =	strace s2  }
0x95: {  	s2 =	sld [smem:$0x3FFD];
	_ =	sdelay $0x3  }
0x96: {  	_ =	strace s2  }
0x97: {  	_ =	strace $0x8FFFFFFF  }
0x98: {  	s19 =	sld [smem:$0x3FDB];
	_ =	sdelay $0x1  }
0x99: {  	s20 =	simm.s32 $_scs_section_size  }
0x9a: {  	s4 =	simm.s32 $_size__tile_overlayer_lowered;
	s5 =	simm.s32 $_tile_overlayer_lowered  }
0x9b: {  	s6 =	simm.s32 $0x1BFF;
	s21 =	sshll.u32 s5, $0x1;
	s3 =	sadd.s32 s20, s19  }
0x9c: {  	s22 =	simm.s32 $0x0;
	s4 =	sshll.u32 s4, $0x1;
	s5 =	sadd.s32 s21, s3  }
0x9d: {  	[timem:s22], [sflag:s6] =	dma.local [hbm:s5], s4  }
0x9e: {  	_ =	swait.ge [sflag:s6], s4  }
0x9f: {  	s4 =	ssub.s32 $0x0, s4;
	[sflag:s6] =	ssyncset.done $0x0  }
0xa0: {  	[sflag:s6] =	ssyncadd.s32 s4;
	_ =	sdelay $0x1  }
0xa1: {  	s23 =	simm.s32 $0x1B8B  }
0xa2: {  	_ =	swait.ge [sflag:s23], $0x1  }
0xa3: {  	[sflag:s23] =	ssyncset.done $0x0  }
0xa4: {  	[sflag:s23] =	ssyncadd.s32 $0xFFFFFFFF  }
0xa5: {  	s4 =	sld [smem:$0x0]  }
0xa6: {  	s5 =	sand.u32 $0xFFFFFFFE, s1  }
0xa7: {  	p0 =	sne.s32 s1, s5  }
0xa8: {  	s5 =	sshll.u32 @p0 s5, $0xE  }
0xa9: {  	s5 =	sadd.s32 @p0 $0x11B8D, s5;
	s6 =	sshll.u32 @p0 s4, $0x11  }
0xaa: {  	s5 =	sor.u32 @p0 s6, s5  }
0xab: {  	[sflag:s5] =	ssyncadd.remote.s32 @p0 $0x1;
	_ =	sdelay $0x1  }
0xac: {  	s5 =	simm.s32 @p0 $0x1B8D  }
0xad: {  	_ =	swait.eq @p0 [sflag:s5], $0x1  }
0xae: {  	[sflag:s5] =	ssyncadd.s32 @p0 $0xFFFFFFFF  }
0xaf: {  	s6 =	sshll.u32 @!p0 s1, $0xE  }
0xb0: {  	s6 =	sor.u32 @!p0 $0x4000, s6;
	s5 =	simm.s32 @!p0 $0x1B8D  }
0xb1: {  	s4 =	sshll.u32 @!p0 s4, $0x11;
	s6 =	sadd.s32 @!p0 $0x11B8D, s6;
	_ =	swait.eq @!p0 [sflag:s5], $0x1  }
0xb2: {  	s4 =	sor.u32 @!p0 s4, s6;
	[sflag:s5] =	ssyncadd.s32 @!p0 $0xFFFFFFFF  }
0xb3: {  	s25 =	simm.s32 $0x1B8E;
	s24 =	sld [smem:$0x3FFE];
	[sflag:s4] =	ssyncadd.remote.s32 @!p0 $0x1  }
0xb4: {  	s26 =	simm.s32 $execute0_lowered;
	[smem:$0x3FD2] =	sst s25  }
0xb5: {  	s5 =	sshll.u32 s26, $0x1;
	_ =	strace $0x8000004F;
	[dreg:$0x1] =	wrdreg $0xFFFFFFFF  }
0xb6: {  	s28 =	simm.s32 $_size_execute0_lowered;
	s3 =	sadd.s32 s3, s5;
	[dreg:$0x0] =	wrdreg $0x0  }
0xb7: {  	s5 =	sshll.u32 s28, $0x1;
	[dreg:$0x2] =	wrdreg s3  }
0xb8: {  	[dreg:$0x3] =	wrdreg s5  }
0xb9: {  	[dreg:$0x4] =	wrdreg $0xC0  }
0xba: {  	_ =	task [dreg:s22], $0x5FFFF  }
0xbb: {  	[dreg:$0x1] =	wrdreg $0xFFFFFFFF  }
0xbc: {  	[dreg:$0x0] =	wrdreg $0x60  }
0xbd: {  	[dreg:$0x2] =	wrdreg s24  }
0xbe: {  	[dreg:$0x3] =	wrdreg $0x0  }
0xbf: {  	[dreg:$0x4] =	wrdreg $0x9  }
0xc0: {  	_ =	task.clear_ibuf [dreg:s22], $0x5FFFF;
	_ =	strace $0x9000004F  }
0xc1: {  	s29 =	simm.s32 $0x9;
	_ =	strace $0x80000051  }
0xc2: {  	_ =	swait.ge [sflag:s29], $0x1  }
0xc3: {  	[sflag:s29] =	ssyncadd.s32 $0xFFFFFFFF  }
0xc4: {  	_ =	strace $0x90000051  }
0xc5: {  	_ =	sfence  }
0xc6: {  	s30 =	sld [smem:$0x0];
	_ =	sdelay $0x2  }
0xc7: {  	s31 =	sshll.u32 s1, $0xD;
	s1 =	sshrl.u32 s1, $0x2  }
0xc8: {  	s4 =	sand.u32 $0x4000, s31;
	s1 =	sadd.s32 s1, s30  }
0xc9: {  	s0 =	sor.u32 s4, s0;
	s1 =	sshll.u32 s1, $0x11  }
0xca: {  	s0 =	sor.u32 s1, s0  }
0xcb: {  	s0 =	sadd.s32 $0x8F2B, s0  }
0xcc: {  	[sflag:s0] =	ssyncadd.remote.s32 $0x1  }
0xcd: {  	_ =	sfence.sel $0xFFFF  }
0xce: {  	[dreg:$0x0] =	wrdreg $0xFFFFFFFF;
	(pc) =	sbr.abs _section_cstart, $3  }
0xcf: {  	[dreg:$0x1] =	wrdreg $0xFFFFFFFF  }
0xd0: {  	_ =	task.clear_ibuf [dreg:s22], $0x2FFFF;
	_ =	strace $0x9FFFFFFF  }
0xd1: {  	(tm) =	ssettm $0x7FFFFFFF  }
tec
execute0_lowered:
.L_overlay_start_1:
0x0: {  	(tag) =	ssettag $0x1  }
0x1: {  	s5 =	rddreg [dreg:$0x0];
	s0 =	stileid.u32  }
0x2: {  	s1 =	srdreg.scid;
	s4 =	smul.u32 $0x2710, s0  }
0x3: {  	s2 =	rddreg [dreg:$0x1];
	s3 =	simm.s32 $0x0;
	s8 =	smul.u32 $0x27100, s0  }
0x4: {  	s6 =	sand.u32 $0x1, s1;
	s1 =	rddreg [dreg:$0x2];
	s11 =	smul.u32 $0x14000, s0  }
0x5: {  	[smem:$0x7FF] =	sst s3;
	s30 =	sshll.u32 s0, $0x6;
	s7 =	smul.u32 $0x1388, s6  }
0x6: {  	_ =	strace $0x80000050;
	s28 =	smul.u32 $0x28000, s6;
	s10 =	ssub.s32 $0x2, s6  }
0x7: {  	s12 =	smul.u32 $0x13880, s6;
	s26 =	sadd.s32 s8, s5;
	s29 =	sshrl.u32 s10, $0x1  }
0x8: {  	s13 =	sadd.s32 s11, s2;
	s15 =	sshrl.u32 s11, $0x3;
	s11 =	simm.s32 $0x14000  }
0x9: {  	s4 =	sadd.s32 s7, s4;
	s8 =	sadd.s32 s28, s5;
	s10 =	ssub.s32 s10, s29  }
0xa: {  	s31 =	sadd.s32 s12, s26;
	s12 =	simm.s32 $0x1A400;
	s4 =	sshrl.u32 s4, $0x3  }
0xb: {  	s14 =	sadd.s32 $0x5EE00, s8;
	s6 =	smax.u32 s10, $0x1;
	s8 =	sadd.s32 $0xA71A00, s31  }
0xc: {  	s10 =	simm.s32 $0x1;
	s9 =	sadd.s32 s4, s5;
	s4 =	sadd.s32 $0xC600, s5  }
0xd: {  	s5 =	sor.u32 $0x1C01, s30;
	s14 =	sadd.s32 s15, s14;
	s15 =	simm.s32 $0x0  }
0xe: {  	s7 =	sadd.s32 $0x7600, s9;
	s9 =	sshrl.u32 s13, $0x3;
	s13 =	simm.s32 $0xC8  }
.LBB2_1:
0xf: {  	[spmem:s9], [sflag:s5] =	dma.local [hbm:s4], $0x2800  }
0x10: {  	_ =	swait.ge [sflag:s10], $0x2800  }
0x11: {  	[sflag:s10] =	ssyncset.done $0x0  }
0x12: {  	[sflag:s10] =	ssyncadd.s32 $0xFFFFD800  }
0x13: {  	[bflag:$0x0] =	sbarrier.arrive $0xFFFF  }
0x14: {  	[tilespmem:s11], [sflag:$0x1] =	stream.linear.gather [hbm4b:s8+s3], $0x6400, $0x38;
	[tilespmem:$0x1A4C8] =	vst v63  }
0x15: {  	_ =	swait.ge [sflag:s10], $0x6400  }
0x16: {  	[sflag:s10] =	ssyncset.done $0x0  }
0x17: {  	s16 =	sadd.s32 $0x0, s7;
	[sflag:s10] =	ssyncadd.s32 $0xFFFF9C00  }
0x18: {  	[tilespmem:s12], [sflag:$0x1] =	stream.linear.gather [hbm4b:s16+s3], $0xC8, $0x38;
	[tilespmem:$0x1A4C8] =	vst v63  }
0x19: {  	_ =	swait.ge [sflag:s10], $0xC8  }
0x1a: {  	[sflag:s10] =	ssyncset.done $0x0  }
0x1b: {  	[sflag:s10] =	ssyncadd.s32 $0xFFFFFF38  }
0x1c: {  	[spmem:s2] =	stream.indirect.scatter.add.f32 [tilespmem:s11], [sflag:$0x1], $0x80, s12, s13, $0xb8;
	[tilespmem:$0x1A4C8] =	vst v63  }
0x1d: {  	_ =	swait.ge [sflag:s10], $0x6400  }
0x1e: {  	s17 =	smov.u32 s8;
	s16 =	simm.s32 $0x19;
	[sflag:s10] =	ssyncset.done $0x0  }
.LBB2_2:
0x1f: {  	p0 =	sne.s32 s16, $0x258;
	[sflag:s10] =	ssyncadd.s32 $0xFFFF9C00;
	s17 =	sadd.s32 $0xC80, s17  }
0x20: {  	[tilespmem:s11], [sflag:$0x1] =	stream.linear.gather [hbm4b:s17+s3], $0x6400, $0x38;
	[tilespmem:$0x1A4C8] =	vst v63  }
0x21: {  	s18 =	smov.u32 s16;
	s16 =	sadd.s32 $0x19, s16;
	_ =	swait.ge [sflag:s10], $0x6400  }
0x22: {  	[sflag:s10] =	ssyncset.done $0x0  }
0x23: {  	s18 =	sadd.s32 s18, s7;
	[sflag:s10] =	ssyncadd.s32 $0xFFFF9C00  }
0x24: {  	[tilespmem:s12], [sflag:$0x1] =	stream.linear.gather [hbm4b:s18+s3], $0xC8, $0x38;
	[tilespmem:$0x1A4C8] =	vst v63  }
0x25: {  	_ =	swait.ge [sflag:s10], $0xC8  }
.Ltmp0:
0x26: {  	[sflag:s10] =	ssyncset.done $0x0;
	(pc) =	sbr.rel @p0 .LBB2_2-.Ltmp0, $4  }
0x27: {  	[sflag:s10] =	ssyncadd.s32 $0xFFFFFF38  }
0x28: {  	[spmem:s2] =	stream.indirect.scatter.add.f32 [tilespmem:s11], [sflag:$0x1], $0x80, s12, s13, $0xb8;
	[tilespmem:$0x1A4C8] =	vst v63  }
0x29: {  	_ =	swait.ge [sflag:s10], $0x6400  }
0x2a: {  	[sflag:s10] =	ssyncset.done $0x0  }
0x2b: {  	s15 =	sadd.s32 $0x1, s15  }
0x2c: {  	[sflag:s10] =	ssyncadd.s32 $0xFFFF9C00;
	p0 =	sne.s32 s15, s6  }
.Ltmp1:
0x2d: {  	[bflag:$0x0] =	sbarrier.arrive $0xFFFF;
	(pc) =	sbr.rel @p0 .LBB2_1-.Ltmp1, $4  }
0x2e: {  	[hbm:s14], [sflag:s5] =	dma.local [spmem:s9], $0x2800  }
0x2f: {  	_ =	swait.ge [sflag:s10], $0x2800  }
0x30: {  	[sflag:s10] =	ssyncset.done $0x0  }
0x31: {  	[sflag:s10] =	ssyncadd.s32 $0xFFFFD800  }
0x32: {  	_ =	sfence.sel $0x180000  }
0x33: {  	[bflag:$0x0] =	sbarrier.arrive $0xFFFF  }
0x34: {  	p0 =	sne.s32 s0, $0x0;
	_ =	strace $0x90000050  }
0x35: {  	s0 =	sadd.s32 @!p0 $0x100000, s1;
	[bflag:$0x2] =	sbarrier.arrive $0xFFFF  }
0x36: {  	[sflag:s0] =	ssyncadd.tile.s32 @!p0 $0x1;
	_ =	shalt  }
.Lfunc_end2:
_tile_overlayer_lowered:
.L_overlay_start_2:
0x37: {  	(tag) =	ssettag $0x2  }
0x38: {  	s0 =	rddreg [dreg:$0x0];
	s2 =	stileid.u32  }
0x39: {  	s1 =	rddreg [dreg:$0x1];
	p0 =	sne.s32 s2, $0x0  }
0x3a: {  	s3 =	rddreg [dreg:$0x2];
	[bflag:$0x3] =	sbarrier.arrive $0xFFFF;
	s2 =	simm.s32 @!p0 $0x1C01  }
0x3b: {  	[timem:s3], [sflag:s2] =	dma.local @!p0 [hbm:s0], s1  }
0x3c: {  	s0 =	simm.s32 @!p0 $0x1  }
0x3d: {  	_ =	swait.ge @!p0 [sflag:s0], s1  }
0x3e: {  	s1 =	ssub.s32 @!p0 $0x0, s1;
	[sflag:s0] =	ssyncset.done @!p0 $0x0  }
0x3f: {  	[sflag:s0] =	ssyncadd.s32 @!p0 s1  }
0x40: {  	[bflag:$0x3] =	sbarrier.arrive $0xFFFF  }
0x41: {  	_ =	shalt  }

// kernel: kernel.17.cloned.1.call-start
scs
__scs_entry_jumppad:
0x0: {  	(pc) =	sbr.rel $0x88, $3  }
0x1: {  	(tag) =	ssettag $0x0;
	lr =	simm.s32 $0x1  }
0x2: {  	[smem:$0x3F95] =	sst lr;
	_ =	strace $0xD0000000  }
0x3: {  	_ = 	snop  }
0x4: {  	_ = 	snop  }
0x5: {  	_ = 	snop  }
0x6: {  	_ = 	snop  }
0x7: {  	_ = 	snop  }
__scs_overlays_trampoline_lowered:
0x8: {  	[smem:$0x3FA4] =	sst s0  }
0x9: {  	[smem:$0x3FA5] =	sst s1  }
0xa: {  	[smem:$0x3FA6] =	sst s2  }
0xb: {  	[smem:$0x3FA7] =	sst s3  }
0xc: {  	[smem:$0x3FA8] =	sst s4  }
0xd: {  	[smem:$0x3FA9] =	sst s5  }
0xe: {  	[smem:$0x3FAA] =	sst s6  }
0xf: {  	[smem:$0x3FAB] =	sst s7  }
0x10: {  	[smem:$0x3FAC] =	sst s8  }
0x11: {  	[smem:$0x3FAD] =	sst s9;
	s0 =	simm.s32 @!p0 $0x0  }
0x12: {  	s1 =	sld [smem:$0x3F93];
	s0 =	simm.s32 @p0 $0x1  }
0x13: {  	[smem:$0x3FAE] =	sst s0;
	s0 =	simm.s32 @!p1 $0x0  }
0x14: {  	s2 =	sld [smem:$0x3F92];
	s0 =	simm.s32 @p1 $0x1  }
0x15: {  	[smem:$0x3FAF] =	sst s0;
	s0 =	simm.s32 @!p2 $0x0  }
0x16: {  	s3 =	sld [smem:$0x3FDB];
	s0 =	simm.s32 @p2 $0x1  }
0x17: {  	s4 =	simm.s32 $0x1BF5;
	[smem:$0x3FB1] =	sst s0  }
0x18: {  	s0 =	sld [smem:$0x3F94];
	_ =	swait.ge [sflag:s4], $0x0  }
0x19: {  	s7 =	sld [smem:$0x3F95]  }
0x1a: {  	s8 =	sadd.s32 $0xFFFFE003, lr  }
0x1b: {  	s9 =	sadd.s32 $0xFFFFFEF7, lr;
	s5 =	simm.s32 $0xFFFFFFFF;
	p2 =	slt.u32 s8, $0xFFFFF086  }
0x1c: {  	p1 =	slt.u32 s9, $0xF7A;
	s5 =	simm.s32 @!p2 $0x0  }
0x1d: {  	s5 =	simm.s32 @p1 $0x1;
	p0 =	seq.s32 s7, s2  }
0x1e: {  	s7 =	smul.u32 @!p0 $0xF7A, s2;
	p2 =	seq.s32 @!p0 s5, $0x0  }
0x1f: {  	s9 =	smul.u32 $0xF7A, s1;
	s8 =	simm.s32 @!p0 $0x1BF5;
	p2 =	por !p2, p0  }
0x20: {  	[sflag:s8] =	ssyncset.s32 @!p0 $0xFFFFF086;
	s6 =	sadd.s32 @!p0 s3, s7;
	s7 =	simm.s32 @!p0 $0x108  }
0x21: {  	s3 =	sadd.s32 s3, s9;
	s6 =	sadd.s32 @!p0 $0x88, s6;
	s7 =	simm.s32 @p2 $0x1082  }
0x22: {  	[simem:s7], [sflag:s8] =	dma.local @!p0 [hbm:s6], $0xF7A  }
0x23: {  	s9 =	sor.u32 $0xD0000000, s2;
	s6 =	simm.s32 $0x108;
	_ =	swait.ge @!p0 [sflag:s8], $0x0  }
0x24: {  	s3 =	sadd.s32 $0x88, s3;
	s6 =	simm.s32 @!p1 $0x1082;
	[sflag:s4] =	ssyncset.s32 $0xFFFFF086  }
0x25: {  	[simem:s6], [sflag:s4] =	dma.local [hbm:s3], $0xF7A  }
0x26: {  	[smem:$0x3F95] =	sst s1;
	(tag) =	ssettag s2;
	_ =	strace s9  }
0x27: {  	s1 =	sld [smem:$0x3FA5]  }
0x28: {  	s2 =	sld [smem:$0x3FA6]  }
0x29: {  	s4 =	sld [smem:$0x3FA8]  }
0x2a: {  	p0 =	seq.s32 s5, $0x0;
	s5 =	sld [smem:$0x3FA9]  }
0x2b: {  	s6 =	sld [smem:$0x3FAA]  }
0x2c: {  	s7 =	sld [smem:$0x3FAB]  }
0x2d: {  	s3 =	simm.s32 $0x108;
	s8 =	sld [smem:$0x3FAC]  }
0x2e: {  	s3 =	simm.s32 @!p0 $0x1082;
	s9 =	sld [smem:$0x3FAD]  }
0x2f: {  	lr =	sadd.s32 s0, s3;
	s0 =	sld [smem:$0x3FA4]  }
0x30: {  	s3 =	sld [smem:$0x3FA7]  }
0x31: {  	[smem:$0x3FB0] =	sst s10  }
0x32: {  	s10 =	sld [smem:$0x3FAE];
	_ =	sdelay $0x3  }
0x33: {  	p0 =	seq.s32 s10, $0x1;
	s10 =	sld [smem:$0x3FB0];
	_ =	sdelay $0x3  }
0x34: {  	[smem:$0x3FB0] =	sst s10  }
0x35: {  	s10 =	sld [smem:$0x3FAF];
	_ =	sdelay $0x3  }
0x36: {  	p1 =	seq.s32 s10, $0x1;
	s10 =	sld [smem:$0x3FB0];
	_ =	sdelay $0x3  }
0x37: {  	[smem:$0x3FB0] =	sst s10  }
0x38: {  	s10 =	sld [smem:$0x3FB1]  }
0x39: {  	_ = 	snop;
	(pc) =	sbr.ind lr, $3  }
0x3a: {  	_ = 	snop  }
0x3b: {  	_ = 	snop  }
0x3c: {  	p2 =	seq.s32 s10, $0x1;
	s10 =	sld [smem:$0x3FB0]  }
0x3d: {  	_ =	shalt  }
0x3e: {  	_ =	shalt  }
0x3f: {  	_ =	shalt  }
0x40: {  	_ =	shalt  }
0x41: {  	_ =	shalt  }
0x42: {  	_ =	shalt  }
0x43: {  	_ =	shalt  }
0x44: {  	_ =	shalt  }
0x45: {  	_ =	shalt  }
0x46: {  	_ =	shalt  }
0x47: {  	_ =	shalt  }
0x48: {  	_ =	shalt  }
0x49: {  	_ =	shalt  }
0x4a: {  	_ =	shalt  }
0x4b: {  	_ =	shalt  }
0x4c: {  	_ =	shalt  }
0x4d: {  	_ =	shalt  }
0x4e: {  	_ =	shalt  }
0x4f: {  	_ =	shalt  }
0x50: {  	_ =	shalt  }
0x51: {  	_ =	shalt  }
0x52: {  	_ =	shalt  }
0x53: {  	_ =	shalt  }
0x54: {  	_ =	shalt  }
0x55: {  	_ =	shalt  }
0x56: {  	_ =	shalt  }
0x57: {  	_ =	shalt  }
0x58: {  	_ =	shalt  }
0x59: {  	_ =	shalt  }
0x5a: {  	_ =	shalt  }
0x5b: {  	_ =	shalt  }
0x5c: {  	_ =	shalt  }
0x5d: {  	_ =	shalt  }
0x5e: {  	_ =	shalt  }
0x5f: {  	_ =	shalt  }
0x60: {  	_ =	shalt  }
0x61: {  	_ =	shalt  }
0x62: {  	_ =	shalt  }
0x63: {  	_ =	shalt  }
0x64: {  	_ =	shalt  }
0x65: {  	_ =	shalt  }
0x66: {  	_ =	shalt  }
0x67: {  	_ =	shalt  }
0x68: {  	_ =	shalt  }
0x69: {  	_ =	shalt  }
0x6a: {  	_ =	shalt  }
0x6b: {  	_ =	shalt  }
0x6c: {  	_ =	shalt  }
0x6d: {  	_ =	shalt  }
0x6e: {  	_ =	shalt  }
0x6f: {  	_ =	shalt  }
0x70: {  	_ =	shalt  }
0x71: {  	_ =	shalt  }
0x72: {  	_ =	shalt  }
0x73: {  	_ =	shalt  }
0x74: {  	_ =	shalt  }
0x75: {  	_ =	shalt  }
0x76: {  	_ =	shalt  }
0x77: {  	_ =	shalt  }
0x78: {  	_ =	shalt  }
0x79: {  	_ =	shalt  }
0x7a: {  	_ =	shalt  }
0x7b: {  	_ =	shalt  }
0x7c: {  	_ =	shalt  }
0x7d: {  	_ =	shalt  }
0x7e: {  	_ =	shalt  }
0x7f: {  	_ =	shalt  }
0x80: {  	_ =	shalt  }
0x81: {  	_ =	shalt  }
0x82: {  	_ =	shalt  }
0x83: {  	_ =	shalt  }
0x84: {  	_ =	shalt  }
0x85: {  	_ =	shalt  }
0x86: {  	_ =	shalt  }
0x87: {  	_ =	shalt  }
.Lfunc_end0:
.L_simem_size_0:
called_computation.3_lowered:
.L_overlay_start_0:
0x88: {  	s2 =	sld [smem:$0x3FD9]  }
0x89: {  	s3 =	sld [smem:$0x3FFE];
	_ =	sdelay $0x1  }
0x8a: {  	s1 =	srdreg.scid  }
0x8b: {  	s0 =	sand.u32 $0x1, s1  }
0x8c: {  	s16 =	sshll.u32 s0, $0xA;
	s2 =	sadd.s32 s3, s2  }
0x8d: {  	s2 =	sadd.s32 s2, s16  }
0x8e: {  	[smem:$0x3FBC] =	sst s2  }
0x8f: {  	_ = 	snop  }
0x90: {  	(tm) =	ssettm $0x1  }
0x91: {  	s17 =	sld [smem:$0x3FFB];
	_ =	sdelay $0x3  }
0x92: {  	_ =	strace s17  }
0x93: {  	s2 =	sld [smem:$0x3FFC];
	_ =	sdelay $0x3  }
0x94: {  	_ =	strace s2  }
0x95: {  	s2 =	sld [smem:$0x3FFD];
	_ =	sdelay $0x3  }
0x96: {  	_ =	strace s2  }
0x97: {  	_ =	strace $0x8FFFFFFF  }
0x98: {  	s18 =	sld [smem:$0x3FDB];
	_ =	sdelay $0x1  }
0x99: {  	s19 =	simm.s32 $_scs_section_size  }
0x9a: {  	s4 =	simm.s32 $_size__tile_overlayer_lowered;
	s5 =	simm.s32 $_tile_overlayer_lowered  }
0x9b: {  	s22 =	simm.s32 $0x1BFF;
	s21 =	sshll.u32 s5, $0x1;
	s2 =	sadd.s32 s19, s18  }
0x9c: {  	s6 =	simm.s32 $0x0;
	s20 =	sshll.u32 s4, $0x1;
	s4 =	sadd.s32 s21, s2  }
0x9d: {  	[timem:s6], [sflag:s22] =	dma.local [hbm:s4], s20  }
0x9e: {  	_ =	swait.ge [sflag:s22], s20  }
0x9f: {  	s3 =	ssub.s32 $0x0, s20;
	[sflag:s22] =	ssyncset.done $0x0  }
0xa0: {  	[sflag:s22] =	ssyncadd.s32 s3;
	_ =	sdelay $0x1  }
0xa1: {  	s23 =	simm.s32 $0x1B8B  }
0xa2: {  	_ =	swait.ge [sflag:s23], $0x1  }
0xa3: {  	[sflag:s23] =	ssyncset.done $0x0  }
0xa4: {  	s25 =	simm.s32 $0x1B8E;
	s24 =	sld [smem:$0x3FFE];
	[sflag:s23] =	ssyncadd.s32 $0xFFFFFFFF  }
0xa5: {  	s26 =	simm.s32 $execute0_lowered;
	[smem:$0x3FD2] =	sst s25  }
0xa6: {  	s4 =	sshll.u32 s26, $0x1;
	_ =	strace $0x8000004C;
	[dreg:$0x1] =	wrdreg $0xFFFFFFFF  }
0xa7: {  	s28 =	simm.s32 $_size_execute0_lowered;
	s2 =	sadd.s32 s2, s4;
	[dreg:$0x0] =	wrdreg $0x0  }
0xa8: {  	s4 =	sshll.u32 s28, $0x1;
	[dreg:$0x2] =	wrdreg s2  }
0xa9: {  	[dreg:$0x3] =	wrdreg s4  }
0xaa: {  	[dreg:$0x4] =	wrdreg $0xC0  }
0xab: {  	_ =	task [dreg:s6], $0x5FFFF  }
0xac: {  	[dreg:$0x1] =	wrdreg $0xFFFFFFFF  }
0xad: {  	[dreg:$0x0] =	wrdreg $0x60  }
0xae: {  	[dreg:$0x2] =	wrdreg s24  }
0xaf: {  	[dreg:$0x3] =	wrdreg $0x0  }
0xb0: {  	[dreg:$0x4] =	wrdreg $0xA  }
0xb1: {  	_ =	task.clear_ibuf [dreg:s6], $0x5FFFF;
	_ =	strace $0x9000004C  }
0xb2: {  	s29 =	simm.s32 $0xA;
	_ =	strace $0x8000004E  }
0xb3: {  	_ =	swait.ge [sflag:s29], $0x1  }
0xb4: {  	[sflag:s29] =	ssyncadd.s32 $0xFFFFFFFF  }
0xb5: {  	_ =	strace $0x9000004E  }
0xb6: {  	_ =	sfence  }
0xb7: {  	s30 =	sld [smem:$0x0];
	_ =	sdelay $0x2  }
0xb8: {  	s31 =	sshll.u32 s1, $0xD;
	s1 =	sshrl.u32 s1, $0x2  }
0xb9: {  	s3 =	sand.u32 $0x4000, s31;
	s1 =	sadd.s32 s1, s30  }
0xba: {  	s0 =	sor.u32 s3, s0;
	s1 =	sshll.u32 s1, $0x11  }
0xbb: {  	s0 =	sor.u32 s1, s0  }
0xbc: {  	s0 =	sadd.s32 $0x8F2B, s0  }
0xbd: {  	[sflag:s0] =	ssyncadd.remote.s32 $0x1  }
0xbe: {  	_ =	sfence.sel $0xFFFF  }
0xbf: {  	[dreg:$0x0] =	wrdreg $0xFFFFFFFF;
	(pc) =	sbr.abs _section_cstart, $3  }
0xc0: {  	[dreg:$0x1] =	wrdreg $0xFFFFFFFF  }
0xc1: {  	_ =	task.clear_ibuf [dreg:s6], $0x2FFFF;
	_ =	strace $0x9FFFFFFF  }
0xc2: {  	(tm) =	ssettm $0x7FFFFFFF  }
0xc3: {  	_ =	shalt  }
tec
execute0_lowered:
.L_overlay_start_1:
0x0: {  	(tag) =	ssettag $0x1  }
0x1: {  	s5 =	rddreg [dreg:$0x0];
	s0 =	stileid.u32  }
0x2: {  	s1 =	srdreg.scid;
	s4 =	smul.u32 $0x2710, s0  }
0x3: {  	s2 =	rddreg [dreg:$0x1];
	s3 =	simm.s32 $0x0;
	s8 =	smul.u32 $0x27100, s0  }
0x4: {  	s6 =	sand.u32 $0x1, s1;
	s1 =	rddreg [dreg:$0x2];
	s11 =	smul.u32 $0x14000, s0  }
0x5: {  	[smem:$0x7FF] =	sst s3;
	s30 =	sshll.u32 s0, $0x6;
	s7 =	smul.u32 $0x1388, s6  }
0x6: {  	_ =	strace $0x8000004D;
	s28 =	smul.u32 $0x28000, s6;
	s10 =	ssub.s32 $0x2, s6  }
0x7: {  	s12 =	smul.u32 $0x13880, s6;
	s26 =	sadd.s32 s8, s5;
	s29 =	sshrl.u32 s10, $0x1  }
0x8: {  	s13 =	sadd.s32 s11, s2;
	s15 =	sshrl.u32 s11, $0x3;
	s11 =	simm.s32 $0x14000  }
0x9: {  	s4 =	sadd.s32 s7, s4;
	s8 =	sadd.s32 s28, s5;
	s10 =	ssub.s32 s10, s29  }
0xa: {  	s31 =	sadd.s32 s12, s26;
	s12 =	simm.s32 $0x1A400;
	s4 =	sshrl.u32 s4, $0x3  }
0xb: {  	s14 =	sadd.s32 $0xEE00, s8;
	s6 =	smax.u32 s10, $0x1;
	s8 =	sadd.s32 $0x800A00, s31  }
0xc: {  	s10 =	simm.s32 $0x1;
	s9 =	sadd.s32 s4, s5;
	s4 =	sadd.s32 $0xC600, s5  }
0xd: {  	s5 =	sor.u32 $0x1C01, s30;
	s14 =	sadd.s32 s15, s14;
	s15 =	simm.s32 $0x0  }
0xe: {  	s7 =	sadd.s32 $0x2600, s9;
	s9 =	sshrl.u32 s13, $0x3;
	s13 =	simm.s32 $0xC8  }
.LBB2_1:
0xf: {  	[spmem:s9], [sflag:s5] =	dma.local [hbm:s4], $0x2800  }
0x10: {  	_ =	swait.ge [sflag:s10], $0x2800  }
0x11: {  	[sflag:s10] =	ssyncset.done $0x0  }
0x12: {  	[sflag:s10] =	ssyncadd.s32 $0xFFFFD800  }
0x13: {  	[bflag:$0x0] =	sbarrier.arrive $0xFFFF  }
0x14: {  	[tilespmem:s11], [sflag:$0x1] =	stream.linear.gather [hbm4b:s8+s3], $0x6400, $0x38;
	[tilespmem:$0x1A4C8] =	vst v63  }
0x15: {  	_ =	swait.ge [sflag:s10], $0x6400  }
0x16: {  	[sflag:s10] =	ssyncset.done $0x0  }
0x17: {  	s16 =	sadd.s32 $0x0, s7;
	[sflag:s10] =	ssyncadd.s32 $0xFFFF9C00  }
0x18: {  	[tilespmem:s12], [sflag:$0x1] =	stream.linear.gather [hbm4b:s16+s3], $0xC8, $0x38;
	[tilespmem:$0x1A4C8] =	vst v63  }
0x19: {  	_ =	swait.ge [sflag:s10], $0xC8  }
0x1a: {  	[sflag:s10] =	ssyncset.done $0x0  }
0x1b: {  	[sflag:s10] =	ssyncadd.s32 $0xFFFFFF38  }
0x1c: {  	[spmem:s2] =	stream.indirect.scatter.add.f32 [tilespmem:s11], [sflag:$0x1], $0x80, s12, s13, $0xb8;
	[tilespmem:$0x1A4C8] =	vst v63  }
0x1d: {  	_ =	swait.ge [sflag:s10], $0x6400  }
0x1e: {  	s17 =	smov.u32 s8;
	s16 =	simm.s32 $0x19;
	[sflag:s10] =	ssyncset.done $0x0  }
.LBB2_2:
0x1f: {  	p0 =	sne.s32 s16, $0x258;
	[sflag:s10] =	ssyncadd.s32 $0xFFFF9C00;
	s17 =	sadd.s32 $0xC80, s17  }
0x20: {  	[tilespmem:s11], [sflag:$0x1] =	stream.linear.gather [hbm4b:s17+s3], $0x6400, $0x38;
	[tilespmem:$0x1A4C8] =	vst v63  }
0x21: {  	s18 =	smov.u32 s16;
	s16 =	sadd.s32 $0x19, s16;
	_ =	swait.ge [sflag:s10], $0x6400  }
0x22: {  	[sflag:s10] =	ssyncset.done $0x0  }
0x23: {  	s18 =	sadd.s32 s18, s7;
	[sflag:s10] =	ssyncadd.s32 $0xFFFF9C00  }
0x24: {  	[tilespmem:s12], [sflag:$0x1] =	stream.linear.gather [hbm4b:s18+s3], $0xC8, $0x38;
	[tilespmem:$0x1A4C8] =	vst v63  }
0x25: {  	_ =	swait.ge [sflag:s10], $0xC8  }
.Ltmp0:
0x26: {  	[sflag:s10] =	ssyncset.done $0x0;
	(pc) =	sbr.rel @p0 .LBB2_2-.Ltmp0, $4  }
0x27: {  	[sflag:s10] =	ssyncadd.s32 $0xFFFFFF38  }
0x28: {  	[spmem:s2] =	stream.indirect.scatter.add.f32 [tilespmem:s11], [sflag:$0x1], $0x80, s12, s13, $0xb8;
	[tilespmem:$0x1A4C8] =	vst v63  }
0x29: {  	_ =	swait.ge [sflag:s10], $0x6400  }
0x2a: {  	[sflag:s10] =	ssyncset.done $0x0  }
0x2b: {  	s15 =	sadd.s32 $0x1, s15  }
0x2c: {  	[sflag:s10] =	ssyncadd.s32 $0xFFFF9C00;
	p0 =	sne.s32 s15, s6  }
.Ltmp1:
0x2d: {  	[bflag:$0x0] =	sbarrier.arrive $0xFFFF;
	(pc) =	sbr.rel @p0 .LBB2_1-.Ltmp1, $4  }
0x2e: {  	[hbm:s14], [sflag:s5] =	dma.local [spmem:s9], $0x2800  }
0x2f: {  	_ =	swait.ge [sflag:s10], $0x2800  }
0x30: {  	[sflag:s10] =	ssyncset.done $0x0  }
0x31: {  	[sflag:s10] =	ssyncadd.s32 $0xFFFFD800  }
0x32: {  	_ =	sfence.sel $0x180000  }
0x33: {  	[bflag:$0x0] =	sbarrier.arrive $0xFFFF  }
0x34: {  	p0 =	sne.s32 s0, $0x0;
	_ =	strace $0x9000004D  }
0x35: {  	s0 =	sadd.s32 @!p0 $0x100000, s1;
	[bflag:$0x2] =	sbarrier.arrive $0xFFFF  }
0x36: {  	[sflag:s0] =	ssyncadd.tile.s32 @!p0 $0x1;
	_ =	shalt  }
.Lfunc_end2:
_tile_overlayer_lowered:
.L_overlay_start_2:
0x37: {  	(tag) =	ssettag $0x2  }
0x38: {  	s0 =	rddreg [dreg:$0x0];
	s2 =	stileid.u32  }
0x39: {  	s1 =	rddreg [dreg:$0x1];
	p0 =	sne.s32 s2, $0x0  }
0x3a: {  	s3 =	rddreg [dreg:$0x2];
	[bflag:$0x3] =	sbarrier.arrive $0xFFFF;
	s2 =	simm.s32 @!p0 $0x1C01  }
0x3b: {  	[timem:s3], [sflag:s2] =	dma.local @!p0 [hbm:s0], s1  }
0x3c: {  	s0 =	simm.s32 @!p0 $0x1  }
0x3d: {  	_ =	swait.ge @!p0 [sflag:s0], s1  }
0x3e: {  	s1 =	ssub.s32 @!p0 $0x0, s1;
	[sflag:s0] =	ssyncset.done @!p0 $0x0  }
0x3f: {  	[sflag:s0] =	ssyncadd.s32 @!p0 s1  }
0x40: {  	[bflag:$0x3] =	sbarrier.arrive $0xFFFF  }
0x41: {  	_ =	shalt  }

// kernel: kernel.8.cloned.1.call-start
scs
__scs_entry_jumppad:
0x0: {  	(pc) =	sbr.rel $0x88, $3  }
0x1: {  	(tag) =	ssettag $0x0;
	lr =	simm.s32 $0x1  }
0x2: {  	[smem:$0x3F95] =	sst lr;
	_ =	strace $0xD0000000  }
0x3: {  	_ = 	snop  }
0x4: {  	_ = 	snop  }
0x5: {  	_ = 	snop  }
0x6: {  	_ = 	snop  }
0x7: {  	_ = 	snop  }
__scs_overlays_trampoline_lowered:
0x8: {  	[smem:$0x3FA4] =	sst s0  }
0x9: {  	[smem:$0x3FA5] =	sst s1  }
0xa: {  	[smem:$0x3FA6] =	sst s2  }
0xb: {  	[smem:$0x3FA7] =	sst s3  }
0xc: {  	[smem:$0x3FA8] =	sst s4  }
0xd: {  	[smem:$0x3FA9] =	sst s5  }
0xe: {  	[smem:$0x3FAA] =	sst s6  }
0xf: {  	[smem:$0x3FAB] =	sst s7  }
0x10: {  	[smem:$0x3FAC] =	sst s8  }
0x11: {  	[smem:$0x3FAD] =	sst s9;
	s0 =	simm.s32 @!p0 $0x0  }
0x12: {  	s1 =	sld [smem:$0x3F93];
	s0 =	simm.s32 @p0 $0x1  }
0x13: {  	[smem:$0x3FAE] =	sst s0;
	s0 =	simm.s32 @!p1 $0x0  }
0x14: {  	s2 =	sld [smem:$0x3F92];
	s0 =	simm.s32 @p1 $0x1  }
0x15: {  	[smem:$0x3FAF] =	sst s0;
	s0 =	simm.s32 @!p2 $0x0  }
0x16: {  	s3 =	sld [smem:$0x3FDB];
	s0 =	simm.s32 @p2 $0x1  }
0x17: {  	s4 =	simm.s32 $0x1BF5;
	[smem:$0x3FB1] =	sst s0  }
0x18: {  	s0 =	sld [smem:$0x3F94];
	_ =	swait.ge [sflag:s4], $0x0  }
0x19: {  	s7 =	sld [smem:$0x3F95]  }
0x1a: {  	s8 =	sadd.s32 $0xFFFFE003, lr  }
0x1b: {  	s9 =	sadd.s32 $0xFFFFFEF7, lr;
	s5 =	simm.s32 $0xFFFFFFFF;
	p2 =	slt.u32 s8, $0xFFFFF086  }
0x1c: {  	p1 =	slt.u32 s9, $0xF7A;
	s5 =	simm.s32 @!p2 $0x0  }
0x1d: {  	s5 =	simm.s32 @p1 $0x1;
	p0 =	seq.s32 s7, s2  }
0x1e: {  	s7 =	smul.u32 @!p0 $0xF7A, s2;
	p2 =	seq.s32 @!p0 s5, $0x0  }
0x1f: {  	s9 =	smul.u32 $0xF7A, s1;
	s8 =	simm.s32 @!p0 $0x1BF5;
	p2 =	por !p2, p0  }
0x20: {  	[sflag:s8] =	ssyncset.s32 @!p0 $0xFFFFF086;
	s6 =	sadd.s32 @!p0 s3, s7;
	s7 =	simm.s32 @!p0 $0x108  }
0x21: {  	s3 =	sadd.s32 s3, s9;
	s6 =	sadd.s32 @!p0 $0x88, s6;
	s7 =	simm.s32 @p2 $0x1082  }
0x22: {  	[simem:s7], [sflag:s8] =	dma.local @!p0 [hbm:s6], $0xF7A  }
0x23: {  	s9 =	sor.u32 $0xD0000000, s2;
	s6 =	simm.s32 $0x108;
	_ =	swait.ge @!p0 [sflag:s8], $0x0  }
0x24: {  	s3 =	sadd.s32 $0x88, s3;
	s6 =	simm.s32 @!p1 $0x1082;
	[sflag:s4] =	ssyncset.s32 $0xFFFFF086  }
0x25: {  	[simem:s6], [sflag:s4] =	dma.local [hbm:s3], $0xF7A  }
0x26: {  	[smem:$0x3F95] =	sst s1;
	(tag) =	ssettag s2;
	_ =	strace s9  }
0x27: {  	s1 =	sld [smem:$0x3FA5]  }
0x28: {  	s2 =	sld [smem:$0x3FA6]  }
0x29: {  	s4 =	sld [smem:$0x3FA8]  }
0x2a: {  	p0 =	seq.s32 s5, $0x0;
	s5 =	sld [smem:$0x3FA9]  }
0x2b: {  	s6 =	sld [smem:$0x3FAA]  }
0x2c: {  	s7 =	sld [smem:$0x3FAB]  }
0x2d: {  	s3 =	simm.s32 $0x108;
	s8 =	sld [smem:$0x3FAC]  }
0x2e: {  	s3 =	simm.s32 @!p0 $0x1082;
	s9 =	sld [smem:$0x3FAD]  }
0x2f: {  	lr =	sadd.s32 s0, s3;
	s0 =	sld [smem:$0x3FA4]  }
0x30: {  	s3 =	sld [smem:$0x3FA7]  }
0x31: {  	[smem:$0x3FB0] =	sst s10  }
0x32: {  	s10 =	sld [smem:$0x3FAE];
	_ =	sdelay $0x3  }
0x33: {  	p0 =	seq.s32 s10, $0x1;
	s10 =	sld [smem:$0x3FB0];
	_ =	sdelay $0x3  }
0x34: {  	[smem:$0x3FB0] =	sst s10  }
0x35: {  	s10 =	sld [smem:$0x3FAF];
	_ =	sdelay $0x3  }
0x36: {  	p1 =	seq.s32 s10, $0x1;
	s10 =	sld [smem:$0x3FB0];
	_ =	sdelay $0x3  }
0x37: {  	[smem:$0x3FB0] =	sst s10  }
0x38: {  	s10 =	sld [smem:$0x3FB1]  }
0x39: {  	_ = 	snop;
	(pc) =	sbr.ind lr, $3  }
0x3a: {  	_ = 	snop  }
0x3b: {  	_ = 	snop  }
0x3c: {  	p2 =	seq.s32 s10, $0x1;
	s10 =	sld [smem:$0x3FB0]  }
0x3d: {  	_ =	shalt  }
0x3e: {  	_ =	shalt  }
0x3f: {  	_ =	shalt  }
0x40: {  	_ =	shalt  }
0x41: {  	_ =	shalt  }
0x42: {  	_ =	shalt  }
0x43: {  	_ =	shalt  }
0x44: {  	_ =	shalt  }
0x45: {  	_ =	shalt  }
0x46: {  	_ =	shalt  }
0x47: {  	_ =	shalt  }
0x48: {  	_ =	shalt  }
0x49: {  	_ =	shalt  }
0x4a: {  	_ =	shalt  }
0x4b: {  	_ =	shalt  }
0x4c: {  	_ =	shalt  }
0x4d: {  	_ =	shalt  }
0x4e: {  	_ =	shalt  }
0x4f: {  	_ =	shalt  }
0x50: {  	_ =	shalt  }
0x51: {  	_ =	shalt  }
0x52: {  	_ =	shalt  }
0x53: {  	_ =	shalt  }
0x54: {  	_ =	shalt  }
0x55: {  	_ =	shalt  }
0x56: {  	_ =	shalt  }
0x57: {  	_ =	shalt  }
0x58: {  	_ =	shalt  }
0x59: {  	_ =	shalt  }
0x5a: {  	_ =	shalt  }
0x5b: {  	_ =	shalt  }
0x5c: {  	_ =	shalt  }
0x5d: {  	_ =	shalt  }
0x5e: {  	_ =	shalt  }
0x5f: {  	_ =	shalt  }
0x60: {  	_ =	shalt  }
0x61: {  	_ =	shalt  }
0x62: {  	_ =	shalt  }
0x63: {  	_ =	shalt  }
0x64: {  	_ =	shalt  }
0x65: {  	_ =	shalt  }
0x66: {  	_ =	shalt  }
0x67: {  	_ =	shalt  }
0x68: {  	_ =	shalt  }
0x69: {  	_ =	shalt  }
0x6a: {  	_ =	shalt  }
0x6b: {  	_ =	shalt  }
0x6c: {  	_ =	shalt  }
0x6d: {  	_ =	shalt  }
0x6e: {  	_ =	shalt  }
0x6f: {  	_ =	shalt  }
0x70: {  	_ =	shalt  }
0x71: {  	_ =	shalt  }
0x72: {  	_ =	shalt  }
0x73: {  	_ =	shalt  }
0x74: {  	_ =	shalt  }
0x75: {  	_ =	shalt  }
0x76: {  	_ =	shalt  }
0x77: {  	_ =	shalt  }
0x78: {  	_ =	shalt  }
0x79: {  	_ =	shalt  }
0x7a: {  	_ =	shalt  }
0x7b: {  	_ =	shalt  }
0x7c: {  	_ =	shalt  }
0x7d: {  	_ =	shalt  }
0x7e: {  	_ =	shalt  }
0x7f: {  	_ =	shalt  }
0x80: {  	_ =	shalt  }
0x81: {  	_ =	shalt  }
0x82: {  	_ =	shalt  }
0x83: {  	_ =	shalt  }
0x84: {  	_ =	shalt  }
0x85: {  	_ =	shalt  }
0x86: {  	_ =	shalt  }
0x87: {  	_ =	shalt  }
.Lfunc_end0:
.L_simem_size_0:
called_computation_lowered:
.L_overlay_start_0:
0x88: {  	s2 =	sld [smem:$0x3FD9]  }
0x89: {  	s3 =	sld [smem:$0x3FFE];
	_ =	sdelay $0x1  }
0x8a: {  	s1 =	srdreg.scid  }
0x8b: {  	s0 =	sand.u32 $0x1, s1  }
0x8c: {  	s16 =	sshll.u32 s0, $0xA;
	s2 =	sadd.s32 s3, s2  }
0x8d: {  	s2 =	sadd.s32 s2, s16  }
0x8e: {  	[smem:$0x3FBC] =	sst s2  }
0x8f: {  	_ = 	snop  }
0x90: {  	(tm) =	ssettm $0x1  }
0x91: {  	s17 =	sld [smem:$0x3FFB];
	_ =	sdelay $0x3  }
0x92: {  	_ =	strace s17  }
0x93: {  	s2 =	sld [smem:$0x3FFC];
	_ =	sdelay $0x3  }
0x94: {  	_ =	strace s2  }
0x95: {  	s2 =	sld [smem:$0x3FFD];
	_ =	sdelay $0x3  }
0x96: {  	_ =	strace s2  }
0x97: {  	_ =	strace $0x8FFFFFFF  }
0x98: {  	s18 =	sld [smem:$0x3FDB];
	_ =	sdelay $0x1  }
0x99: {  	s19 =	simm.s32 $_scs_section_size  }
0x9a: {  	s4 =	simm.s32 $_size__tile_overlayer_lowered;
	s5 =	simm.s32 $_tile_overlayer_lowered  }
0x9b: {  	s22 =	simm.s32 $0x1BFF;
	s21 =	sshll.u32 s5, $0x1;
	s2 =	sadd.s32 s19, s18  }
0x9c: {  	s6 =	simm.s32 $0x0;
	s20 =	sshll.u32 s4, $0x1;
	s4 =	sadd.s32 s21, s2  }
0x9d: {  	[timem:s6], [sflag:s22] =	dma.local [hbm:s4], s20  }
0x9e: {  	_ =	swait.ge [sflag:s22], s20  }
0x9f: {  	s3 =	ssub.s32 $0x0, s20;
	[sflag:s22] =	ssyncset.done $0x0  }
0xa0: {  	[sflag:s22] =	ssyncadd.s32 s3;
	_ =	sdelay $0x1  }
0xa1: {  	s23 =	simm.s32 $0x1B8B  }
0xa2: {  	_ =	swait.ge [sflag:s23], $0x1  }
0xa3: {  	[sflag:s23] =	ssyncset.done $0x0  }
0xa4: {  	s25 =	simm.s32 $0x1B8E;
	s24 =	sld [smem:$0x3FFE];
	[sflag:s23] =	ssyncadd.s32 $0xFFFFFFFF  }
0xa5: {  	s26 =	simm.s32 $execute0_lowered;
	[smem:$0x3FD2] =	sst s25  }
0xa6: {  	s4 =	sshll.u32 s26, $0x1;
	_ =	strace $0x80000046;
	[dreg:$0x1] =	wrdreg $0xFFFFFFFF  }
0xa7: {  	s28 =	simm.s32 $_size_execute0_lowered;
	s2 =	sadd.s32 s2, s4;
	[dreg:$0x0] =	wrdreg $0x0  }
0xa8: {  	s4 =	sshll.u32 s28, $0x1;
	[dreg:$0x2] =	wrdreg s2  }
0xa9: {  	[dreg:$0x3] =	wrdreg s4  }
0xaa: {  	[dreg:$0x4] =	wrdreg $0xC0  }
0xab: {  	_ =	task [dreg:s6], $0x5FFFF  }
0xac: {  	[dreg:$0x1] =	wrdreg $0xFFFFFFFF  }
0xad: {  	[dreg:$0x0] =	wrdreg $0x60  }
0xae: {  	[dreg:$0x2] =	wrdreg s24  }
0xaf: {  	[dreg:$0x3] =	wrdreg $0x9  }
0xb0: {  	_ =	task.clear_ibuf [dreg:s6], $0x4FFFF;
	_ =	strace $0x90000046  }
0xb1: {  	s29 =	simm.s32 $0x9;
	_ =	strace $0x80000048  }
0xb2: {  	_ =	swait.ge [sflag:s29], $0x1  }
0xb3: {  	[sflag:s29] =	ssyncadd.s32 $0xFFFFFFFF  }
0xb4: {  	_ =	strace $0x90000048  }
0xb5: {  	_ =	sfence  }
0xb6: {  	s30 =	sld [smem:$0x0];
	_ =	sdelay $0x2  }
0xb7: {  	s31 =	sshll.u32 s1, $0xD;
	s1 =	sshrl.u32 s1, $0x2  }
0xb8: {  	s3 =	sand.u32 $0x4000, s31;
	s1 =	sadd.s32 s1, s30  }
0xb9: {  	s0 =	sor.u32 s3, s0;
	s1 =	sshll.u32 s1, $0x11  }
0xba: {  	s0 =	sor.u32 s1, s0  }
0xbb: {  	s0 =	sadd.s32 $0x8F2B, s0  }
0xbc: {  	[sflag:s0] =	ssyncadd.remote.s32 $0x1  }
0xbd: {  	_ =	sfence.sel $0xFFFF  }
0xbe: {  	[dreg:$0x0] =	wrdreg $0xFFFFFFFF;
	(pc) =	sbr.abs _section_cstart, $3  }
0xbf: {  	[dreg:$0x1] =	wrdreg $0xFFFFFFFF  }
0xc0: {  	_ =	task.clear_ibuf [dreg:s6], $0x2FFFF;
	_ =	strace $0x9FFFFFFF  }
0xc1: {  	(tm) =	ssettm $0x7FFFFFFF  }
tec
execute0_lowered:
.L_overlay_start_1:
0x0: {  	(tag) =	ssettag $0x1  }
0x1: {  	s4 =	rddreg [dreg:$0x0]  }
0x2: {  	s0 =	rddreg [dreg:$0x1];
	s3 =	srdreg.scid  }
0x3: {  	s1 =	stileid.u32;
	s2 =	simm.s32 $0x0;
	s11 =	simm.s32 $0x190  }
0x4: {  	s12 =	simm.s32 $0xE10;
	s13 =	simm.s32 $0x1;
	s6 =	smul.u32 $0x2710, s1  }
0x5: {  	s14 =	simm.s32 $0x2;
	s5 =	sand.u32 $0x1, s3;
	s8 =	smul.u32 $0x4E20, s1  }
0x6: {  	s15 =	simm.s32 $0x0;
	[smem:$0x7FF] =	sst s2;
	s7 =	smul.u32 $0x1388, s5  }
0x7: {  	s3 =	sadd.s32 $0xC600, s4;
	s29 =	ssub.s32 $0x2, s5;
	s5 =	smul.u32 $0x2710, s5  }
0x8: {  	_ =	strace $0x80000047;
	s8 =	sadd.s32 s8, s4;
	s9 =	sshrl.u32 s29, $0x1  }
0x9: {  	s6 =	sadd.s32 s7, s6;
	s30 =	ssub.s32 s29, s9;
	s31 =	sadd.s32 s5, s8  }
0xa: {  	s9 =	simm.s32 $0x3;
	s6 =	sshrl.u32 s6, $0x3;
	s5 =	sadd.s32 $0x11600, s31  }
0xb: {  	s10 =	sadd.s32 s6, s4;
	s4 =	smax.u32 s30, $0x1;
	s6 =	sadd.s32 $0x5F800, s31  }
0xc: {  	s7 =	sadd.s32 $0x7600, s10;
	s8 =	sadd.s32 $0x2600, s10;
	s10 =	simm.s32 $0xC8  }
.LBB2_1:
0xd: {  	s16 =	sadd.s32 $0x0, s8  }
0xe: {  	[tilespmem:s2], [sflag:$0x3] =	stream.linear.gather [hbm4b:s16+s2], $0xC8, $0x38;
	[tilespmem:$0x1A90] =	vst v63  }
0xf: {  	_ =	swait.ge [sflag:s9], $0xC8  }
0x10: {  	[sflag:s9] =	ssyncset.done $0x0  }
0x11: {  	s31 =	sadd.s32 $0x0, s7;
	[sflag:s9] =	ssyncadd.s32 $0xFFFFFF38  }
0x12: {  	[tilespmem:s10], [sflag:$0x3] =	stream.linear.gather [hbm4b:s31+s2], $0xC8, $0x38;
	[tilespmem:$0x1A90] =	vst v63  }
0x13: {  	_ =	swait.ge [sflag:s9], $0xC8  }
0x14: {  	[sflag:s9] =	ssyncset.done $0x0  }
0x15: {  	[sflag:s9] =	ssyncadd.s32 $0xFFFFFF38  }
0x16: {  	[tilespmem:s11], [sflag:$0x1] =	stream.indirect.gather [hbm4b:s3+s10], $0x10, s2, s10, $0xb8;
	[tilespmem:$0x1A90] =	vst v63  }
0x17: {  	_ = 	snop  }
0x18: {  	[tilespmem:s12], [sflag:$0x2] =	stream.indirect.gather [hbm4b:s3+s10], $0x10, s10, s10, $0xb8;
	[tilespmem:$0x1A90] =	vst v63  }
0x19: {  	_ =	swait.ge [sflag:s13], $0xC80  }
0x1a: {  	[sflag:s13] =	ssyncset.done $0x0  }
0x1b: {  	[sflag:s13] =	ssyncadd.s32 $0xFFFFF380  }
0x1c: {  	_ =	swait.ge [sflag:s14], $0xC80  }
0x1d: {  	[sflag:s14] =	ssyncset.done $0x0  }
0x1e: {  	[sflag:s14] =	ssyncadd.s32 $0xFFFFF380  }
0x1f: {  	[hbm4b:s6+s2] =	stream.linear.scatter [tilespmem:s11], [sflag:$0x3], $0xC80, $0x38;
	[tilespmem:$0x1A90] =	vst v63  }
0x20: {  	_ =	swait.ge [sflag:s9], $0xC80  }
0x21: {  	[sflag:s9] =	ssyncset.done $0x0  }
0x22: {  	[sflag:s9] =	ssyncadd.s32 $0xFFFFF380  }
0x23: {  	[hbm4b:s5+s2] =	stream.linear.scatter [tilespmem:s12], [sflag:$0x3], $0xC80, $0x38;
	[tilespmem:$0x1A90] =	vst v63  }
0x24: {  	s18 =	simm.s32 $0x19;
	s19 =	simm.s32 $0x32;
	_ =	swait.ge [sflag:s9], $0xC80  }
0x25: {  	s17 =	sadd.s32 $0x190, s6;
	s16 =	sadd.s32 $0x190, s5;
	[sflag:s9] =	ssyncset.done $0x0  }
.LBB2_2:
0x26: {  	s20 =	sadd.s32 s18, s8  }
0x27: {  	[sflag:s9] =	ssyncadd.s32 $0xFFFFF380;
	s21 =	smov.u32 s19;
	s22 =	sadd.s32 $0x19, s19  }
0x28: {  	[tilespmem:s2], [sflag:$0x3] =	stream.linear.gather [hbm4b:s20+s2], $0xC8, $0x38;
	[tilespmem:$0x1A90] =	vst v63  }
0x29: {  	p0 =	sne.s32 s19, $0x258;
	_ =	swait.ge [sflag:s9], $0xC8  }
0x2a: {  	[sflag:s9] =	ssyncset.done $0x0  }
0x2b: {  	s19 =	sadd.s32 s18, s7;
	s18 =	smov.u32 s21;
	[sflag:s9] =	ssyncadd.s32 $0xFFFFFF38  }
0x2c: {  	[tilespmem:s10], [sflag:$0x3] =	stream.linear.gather [hbm4b:s19+s2], $0xC8, $0x38;
	[tilespmem:$0x1A90] =	vst v63  }
0x2d: {  	_ =	swait.ge [sflag:s9], $0xC8  }
0x2e: {  	[sflag:s9] =	ssyncset.done $0x0  }
0x2f: {  	[sflag:s9] =	ssyncadd.s32 $0xFFFFFF38  }
0x30: {  	[tilespmem:s11], [sflag:$0x1] =	stream.indirect.gather [hbm4b:s3+s10], $0x10, s2, s10, $0xb8;
	[tilespmem:$0x1A90] =	vst v63  }
0x31: {  	_ = 	snop  }
0x32: {  	[tilespmem:s12], [sflag:$0x2] =	stream.indirect.gather [hbm4b:s3+s10], $0x10, s10, s10, $0xb8;
	[tilespmem:$0x1A90] =	vst v63  }
0x33: {  	_ =	swait.ge [sflag:s13], $0xC80  }
0x34: {  	[sflag:s13] =	ssyncset.done $0x0  }
0x35: {  	[sflag:s13] =	ssyncadd.s32 $0xFFFFF380  }
0x36: {  	_ =	swait.ge [sflag:s14], $0xC80  }
0x37: {  	[sflag:s14] =	ssyncset.done $0x0  }
0x38: {  	[sflag:s14] =	ssyncadd.s32 $0xFFFFF380  }
0x39: {  	[hbm4b:s17+s2] =	stream.linear.scatter [tilespmem:s11], [sflag:$0x3], $0xC80, $0x38;
	[tilespmem:$0x1A90] =	vst v63  }
0x3a: {  	_ =	swait.ge [sflag:s9], $0xC80  }
.Ltmp0:
0x3b: {  	[sflag:s9] =	ssyncset.done $0x0;
	(pc) =	sbr.rel @p0 .LBB2_2-.Ltmp0, $4  }
0x3c: {  	[sflag:s9] =	ssyncadd.s32 $0xFFFFF380  }
0x3d: {  	[hbm4b:s16+s2] =	stream.linear.scatter [tilespmem:s12], [sflag:$0x3], $0xC80, $0x38;
	[tilespmem:$0x1A90] =	vst v63  }
0x3e: {  	s19 =	smov.u32 s22;
	_ =	swait.ge [sflag:s9], $0xC80  }
0x3f: {  	s17 =	sadd.s32 $0x190, s17;
	s16 =	sadd.s32 $0x190, s16;
	[sflag:s9] =	ssyncset.done $0x0  }
0x40: {  	s19 =	sadd.s32 s18, s8;
	[sflag:s9] =	ssyncadd.s32 $0xFFFFF380  }
0x41: {  	[tilespmem:s2], [sflag:$0x3] =	stream.linear.gather [hbm4b:s19+s2], $0xC8, $0x38;
	[tilespmem:$0x1A90] =	vst v63  }
0x42: {  	_ =	swait.ge [sflag:s9], $0xC8  }
0x43: {  	[sflag:s9] =	ssyncset.done $0x0  }
0x44: {  	s31 =	sadd.s32 s18, s7;
	[sflag:s9] =	ssyncadd.s32 $0xFFFFFF38  }
0x45: {  	[tilespmem:s10], [sflag:$0x3] =	stream.linear.gather [hbm4b:s31+s2], $0xC8, $0x38;
	[tilespmem:$0x1A90] =	vst v63  }
0x46: {  	_ =	swait.ge [sflag:s9], $0xC8  }
0x47: {  	[sflag:s9] =	ssyncset.done $0x0  }
0x48: {  	[sflag:s9] =	ssyncadd.s32 $0xFFFFFF38  }
0x49: {  	[tilespmem:s11], [sflag:$0x1] =	stream.indirect.gather [hbm4b:s3+s10], $0x10, s2, s10, $0xb8;
	[tilespmem:$0x1A90] =	vst v63  }
0x4a: {  	_ = 	snop  }
0x4b: {  	[tilespmem:s12], [sflag:$0x2] =	stream.indirect.gather [hbm4b:s3+s10], $0x10, s10, s10, $0xb8;
	[tilespmem:$0x1A90] =	vst v63  }
0x4c: {  	_ =	swait.ge [sflag:s13], $0xC80  }
0x4d: {  	[sflag:s13] =	ssyncset.done $0x0  }
0x4e: {  	[sflag:s13] =	ssyncadd.s32 $0xFFFFF380  }
0x4f: {  	_ =	swait.ge [sflag:s14], $0xC80  }
0x50: {  	[sflag:s14] =	ssyncset.done $0x0  }
0x51: {  	[sflag:s14] =	ssyncadd.s32 $0xFFFFF380  }
0x52: {  	[hbm4b:s17+s2] =	stream.linear.scatter [tilespmem:s11], [sflag:$0x3], $0xC80, $0x38;
	[tilespmem:$0x1A90] =	vst v63  }
0x53: {  	s15 =	sadd.s32 $0x1, s15;
	_ =	swait.ge [sflag:s9], $0xC80  }
0x54: {  	p0 =	sne.s32 s15, s4;
	[sflag:s9] =	ssyncset.done $0x0  }
.Ltmp1:
0x55: {  	[sflag:s9] =	ssyncadd.s32 $0xFFFFF380;
	(pc) =	sbr.rel @p0 .LBB2_1-.Ltmp1, $4  }
0x56: {  	[hbm4b:s16+s2] =	stream.linear.scatter [tilespmem:s12], [sflag:$0x3], $0xC80, $0x38;
	[tilespmem:$0x1A90] =	vst v63  }
0x57: {  	_ =	swait.ge [sflag:s9], $0xC80  }
0x58: {  	[sflag:s9] =	ssyncset.done $0x0  }
0x59: {  	[sflag:s9] =	ssyncadd.s32 $0xFFFFF380  }
0x5a: {  	_ =	sfence.sel $0x180000  }
0x5b: {  	[bflag:$0x0] =	sbarrier.arrive $0xFFFF  }
0x5c: {  	p0 =	sne.s32 s1, $0x0;
	_ =	strace $0x90000047  }
0x5d: {  	s0 =	sadd.s32 @!p0 $0x100000, s0;
	[bflag:$0x2] =	sbarrier.arrive $0xFFFF  }
0x5e: {  	[sflag:s0] =	ssyncadd.tile.s32 @!p0 $0x1;
	_ =	shalt  }
.Lfunc_end2:
_tile_overlayer_lowered:
.L_overlay_start_2:
0x5f: {  	(tag) =	ssettag $0x2  }
0x60: {  	s0 =	rddreg [dreg:$0x0];
	s2 =	stileid.u32  }
0x61: {  	s1 =	rddreg [dreg:$0x1];
	p0 =	sne.s32 s2, $0x0  }
0x62: {  	s3 =	rddreg [dreg:$0x2];
	[bflag:$0x3] =	sbarrier.arrive $0xFFFF;
	s2 =	simm.s32 @!p0 $0x1C03  }
0x63: {  	[timem:s3], [sflag:s2] =	dma.local @!p0 [hbm:s0], s1  }
0x64: {  	s0 =	simm.s32 @!p0 $0x3  }
0x65: {  	_ =	swait.ge @!p0 [sflag:s0], s1  }
0x66: {  	s1 =	ssub.s32 @!p0 $0x0, s1;
	[sflag:s0] =	ssyncset.done @!p0 $0x0  }
0x67: {  	[sflag:s0] =	ssyncadd.s32 @!p0 s1  }
0x68: {  	[bflag:$0x3] =	sbarrier.arrive $0xFFFF  }
0x69: {  	_ =	shalt  }

</sc_bundles>
